<compile_context>
chip_gen: v7x
topology: tpu7x:2x2x1
jax: 0.10.2.dev20260603
libtpu: 0.0.44.dev20260713+nightly
codegen_flags: <defaults>
</compile_context>

<pallas_src>
import functools

import jax
import jax.numpy as jnp
from jax import lax
from jax.experimental import pallas as pl
from jax.experimental.pallas import tpu as pltpu
from jax.experimental.pallas import tpu_sc as plsc

F32 = jnp.float32

_N = 10000
_E = 320000
_NW = 32
_EPT = _E // _NW
_CH = 125
_NCH = _EPT // _CH
_ROWS_PER_TILE = _N // 16
_D = 16
_MD = 64
_BLK = 12800
_NBLK = _E // _BLK


def _sc_mesh():
    return plsc.VectorSubcoreMesh(core_axis_name="c", subcore_axis_name="s")


def _gather_body(ridx_hbm, sidx_hbm, xpad_hbm, xr_hbm, xs_hbm,
                 ridx_v, sidx_v, bufr0, bufs0, bufr1, bufs1, sem0, sem1):
    c = lax.axis_index("c")
    s = lax.axis_index("s")
    wid = s * 2 + c
    pltpu.sync_copy(ridx_hbm.at[wid], ridx_v)
    pltpu.sync_copy(sidx_hbm.at[wid], sidx_v)
    base = wid * _NCH

    def issue(j, br, bs, sem):
        pltpu.async_copy(xpad_hbm.at[ridx_v.at[j]], br, sem)
        pltpu.async_copy(xpad_hbm.at[sidx_v.at[j]], bs, sem)

    def wait_pair(br, bs, sem):
        pltpu.make_async_copy(xpad_hbm.at[pl.ds(0, _CH)], br, sem).wait()
        pltpu.make_async_copy(xpad_hbm.at[pl.ds(0, _CH)], bs, sem).wait()

    def store(j, br, bs):
        pltpu.sync_copy(br, xr_hbm.at[base + j, pl.ds(0, _CH)])
        pltpu.sync_copy(bs, xs_hbm.at[base + j, pl.ds(0, _CH)])

    issue(0, bufr0, bufs0, sem0)

    def body(i, carry):
        issue(2 * i + 1, bufr1, bufs1, sem1)
        wait_pair(bufr0, bufs0, sem0)
        store(2 * i, bufr0, bufs0)

        @pl.when(i < (_NCH - 1) // 2 - 1)
        def _():
            issue(2 * i + 2, bufr0, bufs0, sem0)

        wait_pair(bufr1, bufs1, sem1)
        store(2 * i + 1, bufr1, bufs1)
        return carry

    lax.fori_loop(0, (_NCH - 1) // 2, body, 0)
    issue(_NCH - 1, bufr0, bufs0, sem0)
    wait_pair(bufr0, bufs0, sem0)
    store(_NCH - 1, bufr0, bufs0)


def _sc_gather(ridx3, sidx3, xpad):
    run = functools.partial(
        pl.kernel,
        out_type=(jax.ShapeDtypeStruct((_E // _CH, _CH, _D), F32),
                  jax.ShapeDtypeStruct((_E // _CH, _CH, _D), F32)),
        mesh=_sc_mesh(),
        scratch_types=[
            pltpu.VMEM((_NCH, _CH), jnp.int32),
            pltpu.VMEM((_NCH, _CH), jnp.int32),
            pltpu.VMEM((_CH, _D), F32),
            pltpu.VMEM((_CH, _D), F32),
            pltpu.VMEM((_CH, _D), F32),
            pltpu.VMEM((_CH, _D), F32),
            pltpu.SemaphoreType.DMA,
            pltpu.SemaphoreType.DMA,
        ],
        compiler_params=pltpu.CompilerParams(use_tc_tiling_on_sc=False),
    )(_gather_body)
    return run(ridx3, sidx3, xpad)


def _scatter_body(ridx_hbm, msg_hbm, zeros_hbm, out_hbm,
                  ridx_v, mbuf0, mbuf1, zbuf, acc, sem0, sem1):
    c = lax.axis_index("c")
    s = lax.axis_index("s")
    wid = s * 2 + c
    pltpu.sync_copy(zeros_hbm, zbuf)

    def zbody(k, carry):
        pltpu.sync_copy(zbuf, acc.at[pl.ds(s * _ROWS_PER_TILE + k * 125, 125)])
        return carry

    lax.fori_loop(0, _ROWS_PER_TILE // 125, zbody, 0)
    pltpu.sync_copy(ridx_hbm.at[wid], ridx_v)
    plsc.subcore_barrier()
    base = wid * _NCH

    def issue(j, mb, sem):
        pltpu.async_copy(msg_hbm.at[base + j, pl.ds(0, _CH)], mb, sem)

    def wait(mb, sem):
        pltpu.make_async_copy(msg_hbm.at[0, pl.ds(0, _CH)], mb, sem).wait()

    def scat(j, mb):
        pltpu.sync_copy(mb, acc.at[ridx_v.at[j]], add=True)

    issue(0, mbuf0, sem0)

    def body(i, carry):
        issue(2 * i + 1, mbuf1, sem1)
        wait(mbuf0, sem0)
        scat(2 * i, mbuf0)

        @pl.when(i < (_NCH - 1) // 2 - 1)
        def _():
            issue(2 * i + 2, mbuf0, sem0)

        wait(mbuf1, sem1)
        scat(2 * i + 1, mbuf1)
        return carry

    lax.fori_loop(0, (_NCH - 1) // 2, body, 0)
    issue(_NCH - 1, mbuf0, sem0)
    wait(mbuf0, sem0)
    scat(_NCH - 1, mbuf0)
    plsc.subcore_barrier()

    @pl.when(s < 10)
    def _drain():
        def dbody(k, carry):
            pltpu.sync_copy(acc.at[pl.ds(s * 1000 + k * 125, 125)], zbuf)
            pltpu.sync_copy(zbuf, out_hbm.at[c * 10 + s, pl.ds(k * 125, 125)])
            return carry

        lax.fori_loop(0, 8, dbody, 0)


def _sc_scatter(ridx3, msg, zeros):
    run = functools.partial(
        pl.kernel,
        out_type=jax.ShapeDtypeStruct((20, 1000, _MD), F32),
        mesh=_sc_mesh(),
        scratch_types=[
            pltpu.VMEM((_NCH, _CH), jnp.int32),
            pltpu.VMEM((_CH, _MD), F32),
            pltpu.VMEM((_CH, _MD), F32),
            pltpu.VMEM((125, _MD), F32),
            pltpu.VMEM_SHARED((_N, _MD), F32),
            pltpu.SemaphoreType.DMA,
            pltpu.SemaphoreType.DMA,
        ],
        compiler_params=pltpu.CompilerParams(use_tc_tiling_on_sc=False),
    )(_scatter_body)
    return run(ridx3, msg, zeros)


def _edge_mlp_body(xr_ref, xs_ref, w0r_ref, w0s_ref, b0_ref,
                   w1_ref, b1_ref, w2_ref, b2_ref, w3_ref, b3_ref,
                   w4_ref, b4_ref, w5_ref, b5_ref, out_ref):
    bf = jnp.bfloat16

    def dotb(a, w):
        return jnp.dot(a, w, preferred_element_type=F32)

    pr = xr_ref[...]
    ps = xs_ref[...]
    w0r = w0r_ref[...]
    w0s = w0s_ref[...]
    parts = []
    for k in range(8):
        hk = (dotb(pr[:, 16 * k:16 * (k + 1)], w0r)
              + dotb(ps[:, 16 * k:16 * (k + 1)], w0s))
        parts.append(hk)
    h = jnp.concatenate(parts, axis=0)
    h = jnp.maximum(h + b0_ref[...], 0.0)
    h = jnp.maximum(dotb(h, w1_ref[...]) + b1_ref[...], 0.0)
    h = jnp.maximum(dotb(h, w2_ref[...]) + b2_ref[...], 0.0)
    h = jnp.maximum(dotb(h, w3_ref[...]) + b3_ref[...], 0.0)
    h = jnp.maximum(dotb(h, w4_ref[...]) + b4_ref[...], 0.0)
    msg = dotb(h, w5_ref[...]) + b5_ref[...]
    half = _BLK // 2
    out_ref[...] = jnp.concatenate([msg[:half], msg[half:]], axis=1)


def _edge_mlp(xr, xs, w0r, w0s, b0, w1, b1, w2, b2, w3, b3, w4, b4, w5, b5):
    rblk = _BLK * _D // 128
    oblk = _BLK * _MD // 128
    full = lambda shape: pl.BlockSpec(shape, lambda i: (0, 0))
    return pl.pallas_call(
        _edge_mlp_body,
        grid=(_NBLK,),
        in_specs=[
            pl.BlockSpec((rblk, 128), lambda i: (i, 0)),
            pl.BlockSpec((rblk, 128), lambda i: (i, 0)),
            full(w0r.shape), full(w0s.shape), full(b0.shape),
            full(w1.shape), full(b1.shape), full(w2.shape), full(b2.shape),
            full(w3.shape), full(b3.shape), full(w4.shape), full(b4.shape),
            full(w5.shape), full(b5.shape),
        ],
        out_specs=pl.BlockSpec((oblk, 128), lambda i: (i, 0)),
        out_shape=jax.ShapeDtypeStruct((_E * _MD // 128, 128), F32),
        compiler_params=pltpu.CompilerParams(
            dimension_semantics=("arbitrary",)),
    )(xr, xs, w0r, w0s, b0, w1, b1, w2, b2, w3, b3, w4, b4, w5, b5)


def _node_mlp_body(x2_ref, parts_ref, w0x_ref, w0a_ref, b0_ref,
                   w1_ref, b1_ref, w2_ref, b2_ref, out_ref):
    dot = functools.partial(jnp.dot, preferred_element_type=F32)
    half = _N // 2
    aggr = parts_ref[0:half, :] + parts_ref[half:_N, :]
    h = dot(x2_ref[...], w0x_ref[...]) + dot(aggr, w0a_ref[...])
    h = jnp.maximum(h + b0_ref[...], 0.0)
    h = jnp.maximum(dot(h, w1_ref[...]) + b1_ref[...], 0.0)
    out_ref[...] = dot(h, w2_ref[...]) + b2_ref[...]


def _node_mlp(x2, parts, w0x, w0a, b0, w1, b1, w2, b2):
    return pl.pallas_call(
        _node_mlp_body,
        out_shape=jax.ShapeDtypeStruct((_N // 2, 4), F32),
    )(x2, parts, w0x, w0a, b0, w1, b1, w2, b2)


def kernel(x, edge_index, edge_attr,
           e_w0, e_b0, e_w1, e_b1, e_w2, e_b2, e_w3, e_b3, e_w4, e_b4,
           e_w5, e_b5, n_w0, n_b0, n_w1, n_b1, n_w2, n_b2):
    del edge_attr
    sender = edge_index[0]
    receiver = edge_index[1]

    m_of_t = jnp.arange(_BLK).reshape(2, _BLK // 2).T.reshape(-1)
    sigma = 8 * (m_of_t % (_BLK // 8)) + m_of_t // (_BLK // 8)

    ridx_g = receiver.reshape(_NW, _NCH, _CH)
    sidx_g = sender.reshape(_NW, _NCH, _CH)

    xpad = jnp.zeros((_N, _D), F32).at[:, :5].set(x)

    a, b, cmat = e_w0[:, 0:5], e_w0[:, 5:10], e_w0[:, 10:15]
    w0r = jnp.zeros((_D, 150), F32).at[0:5, :].set((a + cmat).T)
    w0s = jnp.zeros((_D, 150), F32).at[0:5, :].set((b - cmat).T)
    w5 = jnp.zeros((150, _MD), F32).at[:, 0:50].set(e_w5.T)
    b5 = jnp.zeros((1, _MD), F32).at[:, 0:50].set(e_b5)

    xr, xs = _sc_gather(ridx_g, sidx_g, xpad)
    xr = xr.reshape(_E * _D // 128, 128)
    xs = xs.reshape(_E * _D // 128, 128)
    tok = lax.convert_element_type(xr[0, 0] * 0.0, jnp.int32)
    ridx_t = (receiver.reshape(_NBLK, _BLK)[:, sigma]
              .reshape(_NW, _NCH, _CH)) + tok
    msg = _edge_mlp(xr, xs, w0r, w0s,
                    e_b0.reshape(1, -1),
                    e_w1.T, e_b1.reshape(1, -1),
                    e_w2.T, e_b2.reshape(1, -1),
                    e_w3.T, e_b3.reshape(1, -1),
                    e_w4.T, e_b4.reshape(1, -1),
                    w5, b5)

    zeros = jnp.zeros((125, _MD), F32)
    partials = _sc_scatter(ridx_t, msg.reshape(_E // _CH, _CH, _MD), zeros)
    partials = partials.reshape(_N, 128)

    def blockdiag2(w):
        r, c = w.shape
        return (jnp.zeros((2 * r, 2 * c), F32)
                .at[0:r, 0:c].set(w).at[r:2 * r, c:2 * c].set(w))

    w0x = n_w0[:, 0:5].T
    w0a = jnp.zeros((_MD, 100), F32).at[0:50, :].set(n_w0[:, 5:55].T)
    out2 = _node_mlp(x.reshape(_N // 2, 10), partials,
                     blockdiag2(w0x), blockdiag2(w0a),
                     jnp.tile(n_b0, 2).reshape(1, -1),
                     blockdiag2(n_w1.T), jnp.tile(n_b1, 2).reshape(1, -1),
                     blockdiag2(n_w2.T), jnp.tile(n_b2, 2).reshape(1, -1))
    return out2.reshape(_N, 2)

# --- scband reference (transcript-rebuilt; emitter-appended) ---
"""Pipeline reference for scband-residual-gnn-16612933501227 (READ-ONLY COPY).

The authoritative reference and input builder live on the scoring server;
editing this copy changes nothing except your own understanding.
"""

import jax, jax.numpy as jnp
import numpy as np

N = 10000
E = 320000

_EDGE_DIMS = [(15, 150), (150, 150), (150, 150), (150, 150), (150, 150), (150, 50)]
_NODE_DIMS = [(55, 100), (100, 100), (100, 2)]


def setup_inputs(seed: int = 0) -> dict:
    key = jax.random.key(seed)
    ks = jax.random.split(key, 32)
    x = jax.random.normal(ks[0], (N, 5), dtype=jnp.float32)
    edge_index = jax.random.randint(ks[1], (2, E), 0, N, dtype=jnp.int32)
    edge_attr = jax.random.normal(ks[2], (E, 4), dtype=jnp.float32)
    inp = {"x": x, "edge_index": edge_index, "edge_attr": edge_attr}
    i = 3
    for li, (fin, fout) in enumerate(_EDGE_DIMS):
        inp[f"e_w{li}"] = (jax.random.normal(ks[i], (fout, fin), dtype=jnp.float32) / np.sqrt(fin)).astype(jnp.float32)
        inp[f"e_b{li}"] = jnp.zeros((fout,), dtype=jnp.float32)
        i += 1
    for li, (fin, fout) in enumerate(_NODE_DIMS):
        inp[f"n_w{li}"] = (jax.random.normal(ks[i], (fout, fin), dtype=jnp.float32) / np.sqrt(fin)).astype(jnp.float32)
        inp[f"n_b{li}"] = jnp.zeros((fout,), dtype=jnp.float32)
        i += 1
    return inp


def reference(x, edge_index, edge_attr,
              e_w0, e_b0, e_w1, e_b1, e_w2, e_b2, e_w3, e_b3, e_w4, e_b4, e_w5, e_b5,
              n_w0, n_b0, n_w1, n_b1, n_w2, n_b2):
    sender = edge_index[0]
    receiver = edge_index[1]
    xr = jnp.take(x, receiver, axis=0)
    xs = jnp.take(x, sender, axis=0)
    m = jnp.concatenate([xr, xs, xr - xs], axis=1)
    # edge MLP: Linear(15,150)+ReLU, 4x(Linear(150,150)+ReLU), Linear(150,50)
    h = jax.nn.relu(m @ e_w0.T + e_b0)
    for w, b in ((e_w1, e_b1), (e_w2, e_b2), (e_w3, e_b3), (e_w4, e_b4)):
        h = jax.nn.relu(h @ w.T + b)
    msg = h @ e_w5.T + e_b5
    # sum aggregation at receiver (flow source_to_target)
    aggr = jnp.zeros((x.shape[0], msg.shape[1]), dtype=x.dtype).at[receiver].add(msg)
    # node MLP: Linear(55,100)+ReLU, Linear(100,100)+ReLU, Linear(100,2)
    h2 = jax.nn.relu(jnp.concatenate([x, aggr], axis=1) @ n_w0.T + n_b0)
    h2 = jax.nn.relu(h2 @ n_w1.T + n_b1)
    out = h2 @ n_w2.T + n_b2
    return out

if __name__ == "__main__":
    import jax
    _d = setup_inputs()
    print(jax.jit(kernel)(*tuple(_d.values())))

</pallas_src>

<mosaic_0001>
#map = affine_map<(d0, d1) -> (0, 0, 0)>
#map1 = affine_map<(d0, d1) -> (0, 0)>
module attributes {stable_mosaic.version = 14 : i64} {
  func.func @_scatter_body(%arg0: i32, %arg1: i32, %arg2: memref<32x80x125xi32, #tpu.memory_space<hbm>>, %arg3: memref<2560x125x64xf32, #tpu.memory_space<hbm>>, %arg4: memref<125x64xf32, #tpu.memory_space<hbm>>, %arg5: memref<20x1000x64xf32, #tpu.memory_space<hbm>>, %arg6: memref<80x125xi32, #tpu.memory_space<vmem>>, %arg7: memref<125x64xf32, #tpu.memory_space<vmem>>, %arg8: memref<125x64xf32, #tpu.memory_space<vmem>>, %arg9: memref<125x64xf32, #tpu.memory_space<vmem>>, %arg10: memref<10000x64xf32, #tpu.memory_space<vmem_shared>>, %arg11: memref<!tpu.dma_semaphore, #tpu.memory_space<semaphore_mem>>, %arg12: memref<!tpu.dma_semaphore, #tpu.memory_space<semaphore_mem>>) attributes {dimension_semantics = [#tpu.dimension_semantics<core_parallel>, #tpu.dimension_semantics<subcore_parallel>], iteration_bounds = array<i64: 2, 16>, scalar_prefetch = 0 : i64, scratch_operands = 7 : i64, tpu.core_type = #tpu.core_type<sc_vector_subcore>, window_params = [{transform_indices = #map}, {transform_indices = #map}, {transform_indices = #map1}, {transform_indices = #map}]} {
    %mul3A = arith.constant 2 : i32
    %mul3A_0 = arith.muli %arg1, %mul3A : i32
    %add3A = arith.addi %mul3A_0, %arg0 : i32
    "tpu.region"() ({
      %run_scoped3A_44 = tpu.sem_alloc : memref<!tpu.dma_semaphore, #tpu.memory_space<semaphore_mem>>
      tpu.enqueue_dma source(%arg4 : memref<125x64xf32, #tpu.memory_space<hbm>>) target(%arg9 : memref<125x64xf32, #tpu.memory_space<vmem>>) target_semaphore(%run_scoped3A_44 : memref<!tpu.dma_semaphore, #tpu.memory_space<semaphore_mem>>)
      tpu.wait_dma2 semaphore(%run_scoped3A_44 : memref<!tpu.dma_semaphore, #tpu.memory_space<semaphore_mem>>) src(%arg4 : memref<125x64xf32, #tpu.memory_space<hbm>>) dst(%arg9 : memref<125x64xf32, #tpu.memory_space<vmem>>)
      tpu.yield
    }) : () -> ()
    %scan3A = arith.constant 0 : i32
    %scan3A_1 = arith.constant 0 : i32
    %scan3A_2 = arith.constant 5 : i32
    %scan3A_3 = arith.addi %scan3A_1, %scan3A_2 : i32
    %scan3A_4 = arith.constant 1 : i32
    scf.for %scan3A_44 = %scan3A_1 to %scan3A_3 step %scan3A_4  : i32 {
      %mul3A_45 = arith.constant 625 : i32
      %mul3A_46 = arith.muli %arg1, %mul3A_45 : i32
      %mul3A_47 = arith.constant 125 : i32
      %mul3A_48 = arith.muli %scan3A_44, %mul3A_47 : i32
      %add3A_49 = arith.addi %mul3A_46, %mul3A_48 : i32
      "tpu.region"() ({
        %run_scoped3A_50 = tpu.sem_alloc : memref<!tpu.dma_semaphore, #tpu.memory_space<semaphore_mem>>
        %dma_start3A_51 = arith.constant 0 : i32
        %dma_start3A_52 = tpu.memref_slice %arg10[%add3A_49, %dma_start3A_51] : memref<10000x64xf32, #tpu.memory_space<vmem_shared>> -> memref<125x64xf32, #tpu.memory_space<vmem_shared>>
        %dma_start3A_53 = arith.constant 0 : i32
        %dma_start3A_54 = tpu.memref_slice %arg10[%add3A_49, %dma_start3A_53] : memref<10000x64xf32, #tpu.memory_space<vmem_shared>> -> memref<125x64xf32, #tpu.memory_space<vmem_shared>>
        tpu.enqueue_dma source(%arg9 : memref<125x64xf32, #tpu.memory_space<vmem>>) target(%dma_start3A_54 : memref<125x64xf32, #tpu.memory_space<vmem_shared>>) target_semaphore(%run_scoped3A_50 : memref<!tpu.dma_semaphore, #tpu.memory_space<semaphore_mem>>)
        %dma_wait3A_55 = arith.constant 0 : i32
        %dma_wait3A_56 = tpu.memref_slice %arg10[%add3A_49, %dma_wait3A_55] : memref<10000x64xf32, #tpu.memory_space<vmem_shared>> -> memref<125x64xf32, #tpu.memory_space<vmem_shared>>
        %dma_wait3A_57 = arith.constant 0 : i32
        %dma_wait3A_58 = tpu.memref_slice %arg10[%add3A_49, %dma_wait3A_57] : memref<10000x64xf32, #tpu.memory_space<vmem_shared>> -> memref<125x64xf32, #tpu.memory_space<vmem_shared>>
        tpu.wait_dma2 semaphore(%run_scoped3A_50 : memref<!tpu.dma_semaphore, #tpu.memory_space<semaphore_mem>>) src(%arg9 : memref<125x64xf32, #tpu.memory_space<vmem>>) dst(%dma_wait3A_58 : memref<125x64xf32, #tpu.memory_space<vmem_shared>>)
        tpu.yield
      }) : () -> ()
    }
    %scan3A_5 = arith.constant 5 : i32
    "tpu.region"() ({
      %run_scoped3A_44 = tpu.sem_alloc : memref<!tpu.dma_semaphore, #tpu.memory_space<semaphore_mem>>
      %dma_start3A_45 = arith.constant 0 : i32
      %dma_start3A_46 = arith.constant 0 : i32
      %dma_start3A_47 = tpu.memref_slice %arg2[%add3A, %dma_start3A_45, %dma_start3A_46] : memref<32x80x125xi32, #tpu.memory_space<hbm>> -> memref<1x80x125xi32, #tpu.memory_space<hbm>>
      %dma_start3A_48 = tpu.memref_squeeze %dma_start3A_47 : memref<1x80x125xi32, #tpu.memory_space<hbm>> -> memref<80x125xi32, #tpu.memory_space<hbm>>
      %dma_start3A_49 = arith.constant 0 : i32
      %dma_start3A_50 = arith.constant 0 : i32
      %dma_start3A_51 = tpu.memref_slice %arg2[%add3A, %dma_start3A_49, %dma_start3A_50] : memref<32x80x125xi32, #tpu.memory_space<hbm>> -> memref<1x80x125xi32, #tpu.memory_space<hbm>>
      %dma_start3A_52 = tpu.memref_squeeze %dma_start3A_51 : memref<1x80x125xi32, #tpu.memory_space<hbm>> -> memref<80x125xi32, #tpu.memory_space<hbm>>
      tpu.enqueue_dma source(%dma_start3A_52 : memref<80x125xi32, #tpu.memory_space<hbm>>) target(%arg6 : memref<80x125xi32, #tpu.memory_space<vmem>>) target_semaphore(%run_scoped3A_44 : memref<!tpu.dma_semaphore, #tpu.memory_space<semaphore_mem>>)
      %dma_wait3A_53 = arith.constant 0 : i32
      %dma_wait3A_54 = arith.constant 0 : i32
      %dma_wait3A_55 = tpu.memref_slice %arg2[%add3A, %dma_wait3A_53, %dma_wait3A_54] : memref<32x80x125xi32, #tpu.memory_space<hbm>> -> memref<1x80x125xi32, #tpu.memory_space<hbm>>
      %dma_wait3A_56 = tpu.memref_squeeze %dma_wait3A_55 : memref<1x80x125xi32, #tpu.memory_space<hbm>> -> memref<80x125xi32, #tpu.memory_space<hbm>>
      %dma_wait3A_57 = arith.constant 0 : i32
      %dma_wait3A_58 = arith.constant 0 : i32
      %dma_wait3A_59 = tpu.memref_slice %arg2[%add3A, %dma_wait3A_57, %dma_wait3A_58] : memref<32x80x125xi32, #tpu.memory_space<hbm>> -> memref<1x80x125xi32, #tpu.memory_space<hbm>>
      %dma_wait3A_60 = tpu.memref_squeeze %dma_wait3A_59 : memref<1x80x125xi32, #tpu.memory_space<hbm>> -> memref<80x125xi32, #tpu.memory_space<hbm>>
      tpu.wait_dma2 semaphore(%run_scoped3A_44 : memref<!tpu.dma_semaphore, #tpu.memory_space<semaphore_mem>>) src(%dma_wait3A_60 : memref<80x125xi32, #tpu.memory_space<hbm>>) dst(%arg6 : memref<80x125xi32, #tpu.memory_space<vmem>>)
      tpu.yield
    }) : () -> ()
    %barrier3A = arith.constant 0 : index
    tpu.barrier barrier_id(%barrier3A)
    %mul3A_6 = arith.constant 80 : i32
    %mul3A_7 = arith.muli %add3A, %mul3A_6 : i32
    %add3A_8 = arith.constant 0 : i32
    %add3A_9 = arith.addi %mul3A_7, %add3A_8 : i32
    %dma_start3A = arith.constant 0 : i32
    %dma_start3A_10 = arith.constant 0 : i32
    %dma_start3A_11 = tpu.memref_slice %arg3[%add3A_9, %dma_start3A, %dma_start3A_10] : memref<2560x125x64xf32, #tpu.memory_space<hbm>> -> memref<1x125x64xf32, #tpu.memory_space<hbm>>
    %dma_start3A_12 = tpu.memref_squeeze %dma_start3A_11 : memref<1x125x64xf32, #tpu.memory_space<hbm>> -> memref<125x64xf32, #tpu.memory_space<hbm>>
    %dma_start3A_13 = arith.constant 0 : i32
    %dma_start3A_14 = arith.constant 0 : i32
    %dma_start3A_15 = tpu.memref_slice %arg3[%add3A_9, %dma_start3A_13, %dma_start3A_14] : memref<2560x125x64xf32, #tpu.memory_space<hbm>> -> memref<1x125x64xf32, #tpu.memory_space<hbm>>
    %dma_start3A_16 = tpu.memref_squeeze %dma_start3A_15 : memref<1x125x64xf32, #tpu.memory_space<hbm>> -> memref<125x64xf32, #tpu.memory_space<hbm>>
    tpu.enqueue_dma source(%dma_start3A_16 : memref<125x64xf32, #tpu.memory_space<hbm>>) target(%arg7 : memref<125x64xf32, #tpu.memory_space<vmem>>) target_semaphore(%arg11 : memref<!tpu.dma_semaphore, #tpu.memory_space<semaphore_mem>>)
    %scan3A_17 = arith.constant 0 : i32
    %scan3A_18 = arith.constant 0 : i32
    %scan3A_19 = arith.constant 39 : i32
    %scan3A_20 = arith.addi %scan3A_18, %scan3A_19 : i32
    %scan3A_21 = arith.constant 1 : i32
    scf.for %scan3A_44 = %scan3A_18 to %scan3A_20 step %scan3A_21  : i32 {
      %mul3A_45 = arith.constant 2 : i32
      %mul3A_46 = arith.muli %mul3A_45, %scan3A_44 : i32
      %add3A_47 = arith.constant 1 : i32
      %add3A_48 = arith.addi %mul3A_46, %add3A_47 : i32
      %add3A_49 = arith.addi %mul3A_7, %add3A_48 : i32
      %dma_start3A_50 = arith.constant 0 : i32
      %dma_start3A_51 = arith.constant 0 : i32
      %dma_start3A_52 = tpu.memref_slice %arg3[%add3A_49, %dma_start3A_50, %dma_start3A_51] : memref<2560x125x64xf32, #tpu.memory_space<hbm>> -> memref<1x125x64xf32, #tpu.memory_space<hbm>>
      %dma_start3A_53 = tpu.memref_squeeze %dma_start3A_52 : memref<1x125x64xf32, #tpu.memory_space<hbm>> -> memref<125x64xf32, #tpu.memory_space<hbm>>
      %dma_start3A_54 = arith.constant 0 : i32
      %dma_start3A_55 = arith.constant 0 : i32
      %dma_start3A_56 = tpu.memref_slice %arg3[%add3A_49, %dma_start3A_54, %dma_start3A_55] : memref<2560x125x64xf32, #tpu.memory_space<hbm>> -> memref<1x125x64xf32, #tpu.memory_space<hbm>>
      %dma_start3A_57 = tpu.memref_squeeze %dma_start3A_56 : memref<1x125x64xf32, #tpu.memory_space<hbm>> -> memref<125x64xf32, #tpu.memory_space<hbm>>
      tpu.enqueue_dma source(%dma_start3A_57 : memref<125x64xf32, #tpu.memory_space<hbm>>) target(%arg8 : memref<125x64xf32, #tpu.memory_space<vmem>>) target_semaphore(%arg12 : memref<!tpu.dma_semaphore, #tpu.memory_space<semaphore_mem>>)
      %dma_wait3A_58 = arith.constant 0 : i32
      %dma_wait3A_59 = arith.constant 0 : i32
      %dma_wait3A_60 = arith.constant 0 : i32
      %dma_wait3A_61 = tpu.memref_slice %arg3[%dma_wait3A_58, %dma_wait3A_59, %dma_wait3A_60] : memref<2560x125x64xf32, #tpu.memory_space<hbm>> -> memref<1x125x64xf32, #tpu.memory_space<hbm>>
      %dma_wait3A_62 = tpu.memref_squeeze %dma_wait3A_61 : memref<1x125x64xf32, #tpu.memory_space<hbm>> -> memref<125x64xf32, #tpu.memory_space<hbm>>
      %dma_wait3A_63 = arith.constant 0 : i32
      %dma_wait3A_64 = arith.constant 0 : i32
      %dma_wait3A_65 = tpu.memref_slice %arg3[%dma_wait3A_58, %dma_wait3A_63, %dma_wait3A_64] : memref<2560x125x64xf32, #tpu.memory_space<hbm>> -> memref<1x125x64xf32, #tpu.memory_space<hbm>>
      %dma_wait3A_66 = tpu.memref_squeeze %dma_wait3A_65 : memref<1x125x64xf32, #tpu.memory_space<hbm>> -> memref<125x64xf32, #tpu.memory_space<hbm>>
      tpu.wait_dma2 semaphore(%arg11 : memref<!tpu.dma_semaphore, #tpu.memory_space<semaphore_mem>>) src(%dma_wait3A_66 : memref<125x64xf32, #tpu.memory_space<hbm>>) dst(%arg7 : memref<125x64xf32, #tpu.memory_space<vmem>>)
      %mul3A_67 = arith.constant 2 : i32
      %mul3A_68 = arith.muli %mul3A_67, %scan3A_44 : i32
      "tpu.region"() ({
        %run_scoped3A_87 = tpu.sem_alloc : memref<!tpu.dma_semaphore, #tpu.memory_space<semaphore_mem>>
        %dma_start3A_88 = arith.constant 0 : i32
        %dma_start3A_89 = tpu.memref_slice %arg6[%mul3A_68, %dma_start3A_88] : memref<80x125xi32, #tpu.memory_space<vmem>> -> memref<1x125xi32, #tpu.memory_space<vmem>>
        %dma_start3A_90 = tpu.memref_squeeze %dma_start3A_89 : memref<1x125xi32, #tpu.memory_space<vmem>> -> memref<125xi32, #tpu.memory_space<vmem>>
        %dma_start3A_91 = arith.constant 0 : i32
        %dma_start3A_92 = arith.constant 0 : i32
        %dma_start3A_93 = tpu.memref_slice %arg10[%dma_start3A_91, %dma_start3A_92] : memref<10000x64xf32, #tpu.memory_space<vmem_shared>> -> memref<10000x64xf32, #tpu.memory_space<vmem_shared>>
        tpu.enqueue_indirect_dma source(%arg7 : memref<125x64xf32, #tpu.memory_space<vmem>>) target(%dma_start3A_93 : memref<10000x64xf32, #tpu.memory_space<vmem_shared>>) offsets(%dma_start3A_90 : memref<125xi32, #tpu.memory_space<vmem>>) semaphore(%run_scoped3A_87 : memref<!tpu.dma_semaphore, #tpu.memory_space<semaphore_mem>>) {add = true}
        %dma_wait3A_94 = arith.constant 0 : i32
        %dma_wait3A_95 = tpu.memref_slice %arg6[%mul3A_68, %dma_wait3A_94] : memref<80x125xi32, #tpu.memory_space<vmem>> -> memref<1x125xi32, #tpu.memory_space<vmem>>
        %dma_wait3A_96 = tpu.memref_squeeze %dma_wait3A_95 : memref<1x125xi32, #tpu.memory_space<vmem>> -> memref<125xi32, #tpu.memory_space<vmem>>
        %dma_wait3A_97 = arith.constant 0 : i32
        %dma_wait3A_98 = arith.constant 0 : i32
        %dma_wait3A_99 = tpu.memref_slice %arg10[%dma_wait3A_97, %dma_wait3A_98] : memref<10000x64xf32, #tpu.memory_space<vmem_shared>> -> memref<10000x64xf32, #tpu.memory_space<vmem_shared>>
        tpu.wait_indirect_dma semaphore(%run_scoped3A_87 : memref<!tpu.dma_semaphore, #tpu.memory_space<semaphore_mem>>) src(%arg7 : memref<125x64xf32, #tpu.memory_space<vmem>>) dst(%dma_wait3A_99 : memref<10000x64xf32, #tpu.memory_space<vmem_shared>>)
        tpu.yield
      }) : () -> ()
      %lt3A_69 = arith.constant 38 : i32
      %lt3A_70 = arith.cmpi slt, %scan3A_44, %lt3A_69 : i32
      %convert_element_type3A_71 = arith.extui %lt3A_70 : i1 to i32
      %cond3A_72 = arith.constant 0 : i32
      %cond3A_73 = arith.cmpi ne, %convert_element_type3A_71, %cond3A_72 : i32
      scf.if %cond3A_73 {
        %mul3A_87 = arith.constant 2 : i32
        %mul3A_88 = arith.muli %mul3A_87, %scan3A_44 : i32
        %add3A_89 = arith.constant 2 : i32
        %add3A_90 = arith.addi %mul3A_88, %add3A_89 : i32
        %add3A_91 = arith.addi %mul3A_7, %add3A_90 : i32
        %dma_start3A_92 = arith.constant 0 : i32
        %dma_start3A_93 = arith.constant 0 : i32
        %dma_start3A_94 = tpu.memref_slice %arg3[%add3A_91, %dma_start3A_92, %dma_start3A_93] : memref<2560x125x64xf32, #tpu.memory_space<hbm>> -> memref<1x125x64xf32, #tpu.memory_space<hbm>>
        %dma_start3A_95 = tpu.memref_squeeze %dma_start3A_94 : memref<1x125x64xf32, #tpu.memory_space<hbm>> -> memref<125x64xf32, #tpu.memory_space<hbm>>
        %dma_start3A_96 = arith.constant 0 : i32
        %dma_start3A_97 = arith.constant 0 : i32
        %dma_start3A_98 = tpu.memref_slice %arg3[%add3A_91, %dma_start3A_96, %dma_start3A_97] : memref<2560x125x64xf32, #tpu.memory_space<hbm>> -> memref<1x125x64xf32, #tpu.memory_space<hbm>>
        %dma_start3A_99 = tpu.memref_squeeze %dma_start3A_98 : memref<1x125x64xf32, #tpu.memory_space<hbm>> -> memref<125x64xf32, #tpu.memory_space<hbm>>
        tpu.enqueue_dma source(%dma_start3A_99 : memref<125x64xf32, #tpu.memory_space<hbm>>) target(%arg7 : memref<125x64xf32, #tpu.memory_space<vmem>>) target_semaphore(%arg11 : memref<!tpu.dma_semaphore, #tpu.memory_space<semaphore_mem>>)
      } else {
      }
      %dma_wait3A_74 = arith.constant 0 : i32
      %dma_wait3A_75 = arith.constant 0 : i32
      %dma_wait3A_76 = arith.constant 0 : i32
      %dma_wait3A_77 = tpu.memref_slice %arg3[%dma_wait3A_74, %dma_wait3A_75, %dma_wait3A_76] : memref<2560x125x64xf32, #tpu.memory_space<hbm>> -> memref<1x125x64xf32, #tpu.memory_space<hbm>>
      %dma_wait3A_78 = tpu.memref_squeeze %dma_wait3A_77 : memref<1x125x64xf32, #tpu.memory_space<hbm>> -> memref<125x64xf32, #tpu.memory_space<hbm>>
      %dma_wait3A_79 = arith.constant 0 : i32
      %dma_wait3A_80 = arith.constant 0 : i32
      %dma_wait3A_81 = tpu.memref_slice %arg3[%dma_wait3A_74, %dma_wait3A_79, %dma_wait3A_80] : memref<2560x125x64xf32, #tpu.memory_space<hbm>> -> memref<1x125x64xf32, #tpu.memory_space<hbm>>
      %dma_wait3A_82 = tpu.memref_squeeze %dma_wait3A_81 : memref<1x125x64xf32, #tpu.memory_space<hbm>> -> memref<125x64xf32, #tpu.memory_space<hbm>>
      tpu.wait_dma2 semaphore(%arg12 : memref<!tpu.dma_semaphore, #tpu.memory_space<semaphore_mem>>) src(%dma_wait3A_82 : memref<125x64xf32, #tpu.memory_space<hbm>>) dst(%arg8 : memref<125x64xf32, #tpu.memory_space<vmem>>)
      %mul3A_83 = arith.constant 2 : i32
      %mul3A_84 = arith.muli %mul3A_83, %scan3A_44 : i32
      %add3A_85 = arith.constant 1 : i32
      %add3A_86 = arith.addi %mul3A_84, %add3A_85 : i32
      "tpu.region"() ({
        %run_scoped3A_87 = tpu.sem_alloc : memref<!tpu.dma_semaphore, #tpu.memory_space<semaphore_mem>>
        %dma_start3A_88 = arith.constant 0 : i32
        %dma_start3A_89 = tpu.memref_slice %arg6[%add3A_86, %dma_start3A_88] : memref<80x125xi32, #tpu.memory_space<vmem>> -> memref<1x125xi32, #tpu.memory_space<vmem>>
        %dma_start3A_90 = tpu.memref_squeeze %dma_start3A_89 : memref<1x125xi32, #tpu.memory_space<vmem>> -> memref<125xi32, #tpu.memory_space<vmem>>
        %dma_start3A_91 = arith.constant 0 : i32
        %dma_start3A_92 = arith.constant 0 : i32
        %dma_start3A_93 = tpu.memref_slice %arg10[%dma_start3A_91, %dma_start3A_92] : memref<10000x64xf32, #tpu.memory_space<vmem_shared>> -> memref<10000x64xf32, #tpu.memory_space<vmem_shared>>
        tpu.enqueue_indirect_dma source(%arg8 : memref<125x64xf32, #tpu.memory_space<vmem>>) target(%dma_start3A_93 : memref<10000x64xf32, #tpu.memory_space<vmem_shared>>) offsets(%dma_start3A_90 : memref<125xi32, #tpu.memory_space<vmem>>) semaphore(%run_scoped3A_87 : memref<!tpu.dma_semaphore, #tpu.memory_space<semaphore_mem>>) {add = true}
        %dma_wait3A_94 = arith.constant 0 : i32
        %dma_wait3A_95 = tpu.memref_slice %arg6[%add3A_86, %dma_wait3A_94] : memref<80x125xi32, #tpu.memory_space<vmem>> -> memref<1x125xi32, #tpu.memory_space<vmem>>
        %dma_wait3A_96 = tpu.memref_squeeze %dma_wait3A_95 : memref<1x125xi32, #tpu.memory_space<vmem>> -> memref<125xi32, #tpu.memory_space<vmem>>
        %dma_wait3A_97 = arith.constant 0 : i32
        %dma_wait3A_98 = arith.constant 0 : i32
        %dma_wait3A_99 = tpu.memref_slice %arg10[%dma_wait3A_97, %dma_wait3A_98] : memref<10000x64xf32, #tpu.memory_space<vmem_shared>> -> memref<10000x64xf32, #tpu.memory_space<vmem_shared>>
        tpu.wait_indirect_dma semaphore(%run_scoped3A_87 : memref<!tpu.dma_semaphore, #tpu.memory_space<semaphore_mem>>) src(%arg8 : memref<125x64xf32, #tpu.memory_space<vmem>>) dst(%dma_wait3A_99 : memref<10000x64xf32, #tpu.memory_space<vmem_shared>>)
        tpu.yield
      }) : () -> ()
    }
    %scan3A_22 = arith.constant 39 : i32
    %add3A_23 = arith.constant 79 : i32
    %add3A_24 = arith.addi %mul3A_7, %add3A_23 : i32
    %dma_start3A_25 = arith.constant 0 : i32
    %dma_start3A_26 = arith.constant 0 : i32
    %dma_start3A_27 = tpu.memref_slice %arg3[%add3A_24, %dma_start3A_25, %dma_start3A_26] : memref<2560x125x64xf32, #tpu.memory_space<hbm>> -> memref<1x125x64xf32, #tpu.memory_space<hbm>>
    %dma_start3A_28 = tpu.memref_squeeze %dma_start3A_27 : memref<1x125x64xf32, #tpu.memory_space<hbm>> -> memref<125x64xf32, #tpu.memory_space<hbm>>
    %dma_start3A_29 = arith.constant 0 : i32
    %dma_start3A_30 = arith.constant 0 : i32
    %dma_start3A_31 = tpu.memref_slice %arg3[%add3A_24, %dma_start3A_29, %dma_start3A_30] : memref<2560x125x64xf32, #tpu.memory_space<hbm>> -> memref<1x125x64xf32, #tpu.memory_space<hbm>>
    %dma_start3A_32 = tpu.memref_squeeze %dma_start3A_31 : memref<1x125x64xf32, #tpu.memory_space<hbm>> -> memref<125x64xf32, #tpu.memory_space<hbm>>
    tpu.enqueue_dma source(%dma_start3A_32 : memref<125x64xf32, #tpu.memory_space<hbm>>) target(%arg7 : memref<125x64xf32, #tpu.memory_space<vmem>>) target_semaphore(%arg11 : memref<!tpu.dma_semaphore, #tpu.memory_space<semaphore_mem>>)
    %dma_wait3A = arith.constant 0 : i32
    %dma_wait3A_33 = arith.constant 0 : i32
    %dma_wait3A_34 = arith.constant 0 : i32
    %dma_wait3A_35 = tpu.memref_slice %arg3[%dma_wait3A, %dma_wait3A_33, %dma_wait3A_34] : memref<2560x125x64xf32, #tpu.memory_space<hbm>> -> memref<1x125x64xf32, #tpu.memory_space<hbm>>
    %dma_wait3A_36 = tpu.memref_squeeze %dma_wait3A_35 : memref<1x125x64xf32, #tpu.memory_space<hbm>> -> memref<125x64xf32, #tpu.memory_space<hbm>>
    %dma_wait3A_37 = arith.constant 0 : i32
    %dma_wait3A_38 = arith.constant 0 : i32
    %dma_wait3A_39 = tpu.memref_slice %arg3[%dma_wait3A, %dma_wait3A_37, %dma_wait3A_38] : memref<2560x125x64xf32, #tpu.memory_space<hbm>> -> memref<1x125x64xf32, #tpu.memory_space<hbm>>
    %dma_wait3A_40 = tpu.memref_squeeze %dma_wait3A_39 : memref<1x125x64xf32, #tpu.memory_space<hbm>> -> memref<125x64xf32, #tpu.memory_space<hbm>>
    tpu.wait_dma2 semaphore(%arg11 : memref<!tpu.dma_semaphore, #tpu.memory_space<semaphore_mem>>) src(%dma_wait3A_40 : memref<125x64xf32, #tpu.memory_space<hbm>>) dst(%arg7 : memref<125x64xf32, #tpu.memory_space<vmem>>)
    %run_scoped3A = arith.constant 79 : i32
    "tpu.region"() ({
      %run_scoped3A_44 = tpu.sem_alloc : memref<!tpu.dma_semaphore, #tpu.memory_space<semaphore_mem>>
      %dma_start3A_45 = arith.constant 0 : i32
      %dma_start3A_46 = tpu.memref_slice %arg6[%run_scoped3A, %dma_start3A_45] : memref<80x125xi32, #tpu.memory_space<vmem>> -> memref<1x125xi32, #tpu.memory_space<vmem>>
      %dma_start3A_47 = tpu.memref_squeeze %dma_start3A_46 : memref<1x125xi32, #tpu.memory_space<vmem>> -> memref<125xi32, #tpu.memory_space<vmem>>
      %dma_start3A_48 = arith.constant 0 : i32
      %dma_start3A_49 = arith.constant 0 : i32
      %dma_start3A_50 = tpu.memref_slice %arg10[%dma_start3A_48, %dma_start3A_49] : memref<10000x64xf32, #tpu.memory_space<vmem_shared>> -> memref<10000x64xf32, #tpu.memory_space<vmem_shared>>
      tpu.enqueue_indirect_dma source(%arg7 : memref<125x64xf32, #tpu.memory_space<vmem>>) target(%dma_start3A_50 : memref<10000x64xf32, #tpu.memory_space<vmem_shared>>) offsets(%dma_start3A_47 : memref<125xi32, #tpu.memory_space<vmem>>) semaphore(%run_scoped3A_44 : memref<!tpu.dma_semaphore, #tpu.memory_space<semaphore_mem>>) {add = true}
      %dma_wait3A_51 = arith.constant 0 : i32
      %dma_wait3A_52 = tpu.memref_slice %arg6[%run_scoped3A, %dma_wait3A_51] : memref<80x125xi32, #tpu.memory_space<vmem>> -> memref<1x125xi32, #tpu.memory_space<vmem>>
      %dma_wait3A_53 = tpu.memref_squeeze %dma_wait3A_52 : memref<1x125xi32, #tpu.memory_space<vmem>> -> memref<125xi32, #tpu.memory_space<vmem>>
      %dma_wait3A_54 = arith.constant 0 : i32
      %dma_wait3A_55 = arith.constant 0 : i32
      %dma_wait3A_56 = tpu.memref_slice %arg10[%dma_wait3A_54, %dma_wait3A_55] : memref<10000x64xf32, #tpu.memory_space<vmem_shared>> -> memref<10000x64xf32, #tpu.memory_space<vmem_shared>>
      tpu.wait_indirect_dma semaphore(%run_scoped3A_44 : memref<!tpu.dma_semaphore, #tpu.memory_space<semaphore_mem>>) src(%arg7 : memref<125x64xf32, #tpu.memory_space<vmem>>) dst(%dma_wait3A_56 : memref<10000x64xf32, #tpu.memory_space<vmem_shared>>)
      tpu.yield
    }) : () -> ()
    %barrier3A_41 = arith.constant 0 : index
    tpu.barrier barrier_id(%barrier3A_41)
    %lt3A = arith.constant 10 : i32
    %lt3A_42 = arith.cmpi slt, %arg1, %lt3A : i32
    %convert_element_type3A = arith.extui %lt3A_42 : i1 to i32
    %cond3A = arith.constant 0 : i32
    %cond3A_43 = arith.cmpi ne, %convert_element_type3A, %cond3A : i32
    scf.if %cond3A_43 {
      %scan3A_44 = arith.constant 0 : i32
      %scan3A_45 = arith.constant 0 : i32
      %scan3A_46 = arith.constant 8 : i32
      %scan3A_47 = arith.addi %scan3A_45, %scan3A_46 : i32
      %scan3A_48 = arith.constant 1 : i32
      scf.for %scan3A_50 = %scan3A_45 to %scan3A_47 step %scan3A_48  : i32 {
        %mul3A_51 = arith.constant 1000 : i32
        %mul3A_52 = arith.muli %arg1, %mul3A_51 : i32
        %mul3A_53 = arith.constant 125 : i32
        %mul3A_54 = arith.muli %scan3A_50, %mul3A_53 : i32
        %add3A_55 = arith.addi %mul3A_52, %mul3A_54 : i32
        "tpu.region"() ({
          %run_scoped3A_61 = tpu.sem_alloc : memref<!tpu.dma_semaphore, #tpu.memory_space<semaphore_mem>>
          %dma_start3A_62 = arith.constant 0 : i32
          %dma_start3A_63 = tpu.memref_slice %arg10[%add3A_55, %dma_start3A_62] : memref<10000x64xf32, #tpu.memory_space<vmem_shared>> -> memref<125x64xf32, #tpu.memory_space<vmem_shared>>
          %dma_start3A_64 = arith.constant 0 : i32
          %dma_start3A_65 = tpu.memref_slice %arg10[%add3A_55, %dma_start3A_64] : memref<10000x64xf32, #tpu.memory_space<vmem_shared>> -> memref<125x64xf32, #tpu.memory_space<vmem_shared>>
          tpu.enqueue_dma source(%dma_start3A_65 : memref<125x64xf32, #tpu.memory_space<vmem_shared>>) target(%arg9 : memref<125x64xf32, #tpu.memory_space<vmem>>) target_semaphore(%run_scoped3A_61 : memref<!tpu.dma_semaphore, #tpu.memory_space<semaphore_mem>>)
          %dma_wait3A_66 = arith.constant 0 : i32
          %dma_wait3A_67 = tpu.memref_slice %arg10[%add3A_55, %dma_wait3A_66] : memref<10000x64xf32, #tpu.memory_space<vmem_shared>> -> memref<125x64xf32, #tpu.memory_space<vmem_shared>>
          %dma_wait3A_68 = arith.constant 0 : i32
          %dma_wait3A_69 = tpu.memref_slice %arg10[%add3A_55, %dma_wait3A_68] : memref<10000x64xf32, #tpu.memory_space<vmem_shared>> -> memref<125x64xf32, #tpu.memory_space<vmem_shared>>
          tpu.wait_dma2 semaphore(%run_scoped3A_61 : memref<!tpu.dma_semaphore, #tpu.memory_space<semaphore_mem>>) src(%dma_wait3A_69 : memref<125x64xf32, #tpu.memory_space<vmem_shared>>) dst(%arg9 : memref<125x64xf32, #tpu.memory_space<vmem>>)
          tpu.yield
        }) : () -> ()
        %mul3A_56 = arith.constant 10 : i32
        %mul3A_57 = arith.muli %arg0, %mul3A_56 : i32
        %add3A_58 = arith.addi %mul3A_57, %arg1 : i32
        %mul3A_59 = arith.constant 125 : i32
        %mul3A_60 = arith.muli %scan3A_50, %mul3A_59 : i32
        "tpu.region"() ({
          %run_scoped3A_61 = tpu.sem_alloc : memref<!tpu.dma_semaphore, #tpu.memory_space<semaphore_mem>>
          %dma_start3A_62 = arith.constant 0 : i32
          %dma_start3A_63 = tpu.memref_slice %arg5[%add3A_58, %mul3A_60, %dma_start3A_62] : memref<20x1000x64xf32, #tpu.memory_space<hbm>> -> memref<1x125x64xf32, #tpu.memory_space<hbm>>
          %dma_start3A_64 = tpu.memref_squeeze %dma_start3A_63 : memref<1x125x64xf32, #tpu.memory_space<hbm>> -> memref<125x64xf32, #tpu.memory_space<hbm>>
          %dma_start3A_65 = arith.constant 0 : i32
          %dma_start3A_66 = tpu.memref_slice %arg5[%add3A_58, %mul3A_60, %dma_start3A_65] : memref<20x1000x64xf32, #tpu.memory_space<hbm>> -> memref<1x125x64xf32, #tpu.memory_space<hbm>>
          %dma_start3A_67 = tpu.memref_squeeze %dma_start3A_66 : memref<1x125x64xf32, #tpu.memory_space<hbm>> -> memref<125x64xf32, #tpu.memory_space<hbm>>
          tpu.enqueue_dma source(%arg9 : memref<125x64xf32, #tpu.memory_space<vmem>>) target(%dma_start3A_67 : memref<125x64xf32, #tpu.memory_space<hbm>>) target_semaphore(%run_scoped3A_61 : memref<!tpu.dma_semaphore, #tpu.memory_space<semaphore_mem>>)
          %dma_wait3A_68 = arith.constant 0 : i32
          %dma_wait3A_69 = tpu.memref_slice %arg5[%add3A_58, %mul3A_60, %dma_wait3A_68] : memref<20x1000x64xf32, #tpu.memory_space<hbm>> -> memref<1x125x64xf32, #tpu.memory_space<hbm>>
          %dma_wait3A_70 = tpu.memref_squeeze %dma_wait3A_69 : memref<1x125x64xf32, #tpu.memory_space<hbm>> -> memref<125x64xf32, #tpu.memory_space<hbm>>
          %dma_wait3A_71 = arith.constant 0 : i32
          %dma_wait3A_72 = tpu.memref_slice %arg5[%add3A_58, %mul3A_60, %dma_wait3A_71] : memref<20x1000x64xf32, #tpu.memory_space<hbm>> -> memref<1x125x64xf32, #tpu.memory_space<hbm>>
          %dma_wait3A_73 = tpu.memref_squeeze %dma_wait3A_72 : memref<1x125x64xf32, #tpu.memory_space<hbm>> -> memref<125x64xf32, #tpu.memory_space<hbm>>
          tpu.wait_dma2 semaphore(%run_scoped3A_61 : memref<!tpu.dma_semaphore, #tpu.memory_space<semaphore_mem>>) src(%arg9 : memref<125x64xf32, #tpu.memory_space<vmem>>) dst(%dma_wait3A_73 : memref<125x64xf32, #tpu.memory_space<hbm>>)
          tpu.yield
        }) : () -> ()
      }
      %scan3A_49 = arith.constant 8 : i32
    } else {
    }
    return
  }
}

#map = affine_map<(d0, d1) -> (0, 0, 0)>
#map1 = affine_map<(d0, d1) -> (0, 0)>
module attributes {stable_mosaic.version = 14 : i64} {
  func.func @_gather_body(%arg0: i32, %arg1: i32, %arg2: memref<32x80x125xi32, #tpu.memory_space<hbm>>, %arg3: memref<32x80x125xi32, #tpu.memory_space<hbm>>, %arg4: memref<10000x16xf32, #tpu.memory_space<hbm>>, %arg5: memref<2560x125x16xf32, #tpu.memory_space<hbm>>, %arg6: memref<2560x125x16xf32, #tpu.memory_space<hbm>>, %arg7: memref<80x125xi32, #tpu.memory_space<vmem>>, %arg8: memref<80x125xi32, #tpu.memory_space<vmem>>, %arg9: memref<125x16xf32, #tpu.memory_space<vmem>>, %arg10: memref<125x16xf32, #tpu.memory_space<vmem>>, %arg11: memref<125x16xf32, #tpu.memory_space<vmem>>, %arg12: memref<125x16xf32, #tpu.memory_space<vmem>>, %arg13: memref<!tpu.dma_semaphore, #tpu.memory_space<semaphore_mem>>, %arg14: memref<!tpu.dma_semaphore, #tpu.memory_space<semaphore_mem>>) attributes {dimension_semantics = [#tpu.dimension_semantics<core_parallel>, #tpu.dimension_semantics<subcore_parallel>], iteration_bounds = array<i64: 2, 16>, scalar_prefetch = 0 : i64, scratch_operands = 8 : i64, tpu.core_type = #tpu.core_type<sc_vector_subcore>, window_params = [{transform_indices = #map}, {transform_indices = #map}, {transform_indices = #map1}, {transform_indices = #map}, {transform_indices = #map}]} {
    %mul3A = arith.constant 2 : i32
    %mul3A_0 = arith.muli %arg1, %mul3A : i32
    %add3A = arith.addi %mul3A_0, %arg0 : i32
    "tpu.region"() ({
      %run_scoped3A = tpu.sem_alloc : memref<!tpu.dma_semaphore, #tpu.memory_space<semaphore_mem>>
      %dma_start3A_50 = arith.constant 0 : i32
      %dma_start3A_51 = arith.constant 0 : i32
      %dma_start3A_52 = tpu.memref_slice %arg2[%add3A, %dma_start3A_50, %dma_start3A_51] : memref<32x80x125xi32, #tpu.memory_space<hbm>> -> memref<1x80x125xi32, #tpu.memory_space<hbm>>
      %dma_start3A_53 = tpu.memref_squeeze %dma_start3A_52 : memref<1x80x125xi32, #tpu.memory_space<hbm>> -> memref<80x125xi32, #tpu.memory_space<hbm>>
      %dma_start3A_54 = arith.constant 0 : i32
      %dma_start3A_55 = arith.constant 0 : i32
      %dma_start3A_56 = tpu.memref_slice %arg2[%add3A, %dma_start3A_54, %dma_start3A_55] : memref<32x80x125xi32, #tpu.memory_space<hbm>> -> memref<1x80x125xi32, #tpu.memory_space<hbm>>
      %dma_start3A_57 = tpu.memref_squeeze %dma_start3A_56 : memref<1x80x125xi32, #tpu.memory_space<hbm>> -> memref<80x125xi32, #tpu.memory_space<hbm>>
      tpu.enqueue_dma source(%dma_start3A_57 : memref<80x125xi32, #tpu.memory_space<hbm>>) target(%arg7 : memref<80x125xi32, #tpu.memory_space<vmem>>) target_semaphore(%run_scoped3A : memref<!tpu.dma_semaphore, #tpu.memory_space<semaphore_mem>>)
      %dma_wait3A_58 = arith.constant 0 : i32
      %dma_wait3A_59 = arith.constant 0 : i32
      %dma_wait3A_60 = tpu.memref_slice %arg2[%add3A, %dma_wait3A_58, %dma_wait3A_59] : memref<32x80x125xi32, #tpu.memory_space<hbm>> -> memref<1x80x125xi32, #tpu.memory_space<hbm>>
      %dma_wait3A_61 = tpu.memref_squeeze %dma_wait3A_60 : memref<1x80x125xi32, #tpu.memory_space<hbm>> -> memref<80x125xi32, #tpu.memory_space<hbm>>
      %dma_wait3A_62 = arith.constant 0 : i32
      %dma_wait3A_63 = arith.constant 0 : i32
      %dma_wait3A_64 = tpu.memref_slice %arg2[%add3A, %dma_wait3A_62, %dma_wait3A_63] : memref<32x80x125xi32, #tpu.memory_space<hbm>> -> memref<1x80x125xi32, #tpu.memory_space<hbm>>
      %dma_wait3A_65 = tpu.memref_squeeze %dma_wait3A_64 : memref<1x80x125xi32, #tpu.memory_space<hbm>> -> memref<80x125xi32, #tpu.memory_space<hbm>>
      tpu.wait_dma2 semaphore(%run_scoped3A : memref<!tpu.dma_semaphore, #tpu.memory_space<semaphore_mem>>) src(%dma_wait3A_65 : memref<80x125xi32, #tpu.memory_space<hbm>>) dst(%arg7 : memref<80x125xi32, #tpu.memory_space<vmem>>)
      tpu.yield
    }) : () -> ()
    "tpu.region"() ({
      %run_scoped3A = tpu.sem_alloc : memref<!tpu.dma_semaphore, #tpu.memory_space<semaphore_mem>>
      %dma_start3A_50 = arith.constant 0 : i32
      %dma_start3A_51 = arith.constant 0 : i32
      %dma_start3A_52 = tpu.memref_slice %arg3[%add3A, %dma_start3A_50, %dma_start3A_51] : memref<32x80x125xi32, #tpu.memory_space<hbm>> -> memref<1x80x125xi32, #tpu.memory_space<hbm>>
      %dma_start3A_53 = tpu.memref_squeeze %dma_start3A_52 : memref<1x80x125xi32, #tpu.memory_space<hbm>> -> memref<80x125xi32, #tpu.memory_space<hbm>>
      %dma_start3A_54 = arith.constant 0 : i32
      %dma_start3A_55 = arith.constant 0 : i32
      %dma_start3A_56 = tpu.memref_slice %arg3[%add3A, %dma_start3A_54, %dma_start3A_55] : memref<32x80x125xi32, #tpu.memory_space<hbm>> -> memref<1x80x125xi32, #tpu.memory_space<hbm>>
      %dma_start3A_57 = tpu.memref_squeeze %dma_start3A_56 : memref<1x80x125xi32, #tpu.memory_space<hbm>> -> memref<80x125xi32, #tpu.memory_space<hbm>>
      tpu.enqueue_dma source(%dma_start3A_57 : memref<80x125xi32, #tpu.memory_space<hbm>>) target(%arg8 : memref<80x125xi32, #tpu.memory_space<vmem>>) target_semaphore(%run_scoped3A : memref<!tpu.dma_semaphore, #tpu.memory_space<semaphore_mem>>)
      %dma_wait3A_58 = arith.constant 0 : i32
      %dma_wait3A_59 = arith.constant 0 : i32
      %dma_wait3A_60 = tpu.memref_slice %arg3[%add3A, %dma_wait3A_58, %dma_wait3A_59] : memref<32x80x125xi32, #tpu.memory_space<hbm>> -> memref<1x80x125xi32, #tpu.memory_space<hbm>>
      %dma_wait3A_61 = tpu.memref_squeeze %dma_wait3A_60 : memref<1x80x125xi32, #tpu.memory_space<hbm>> -> memref<80x125xi32, #tpu.memory_space<hbm>>
      %dma_wait3A_62 = arith.constant 0 : i32
      %dma_wait3A_63 = arith.constant 0 : i32
      %dma_wait3A_64 = tpu.memref_slice %arg3[%add3A, %dma_wait3A_62, %dma_wait3A_63] : memref<32x80x125xi32, #tpu.memory_space<hbm>> -> memref<1x80x125xi32, #tpu.memory_space<hbm>>
      %dma_wait3A_65 = tpu.memref_squeeze %dma_wait3A_64 : memref<1x80x125xi32, #tpu.memory_space<hbm>> -> memref<80x125xi32, #tpu.memory_space<hbm>>
      tpu.wait_dma2 semaphore(%run_scoped3A : memref<!tpu.dma_semaphore, #tpu.memory_space<semaphore_mem>>) src(%dma_wait3A_65 : memref<80x125xi32, #tpu.memory_space<hbm>>) dst(%arg8 : memref<80x125xi32, #tpu.memory_space<vmem>>)
      tpu.yield
    }) : () -> ()
    %mul3A_1 = arith.constant 80 : i32
    %mul3A_2 = arith.muli %add3A, %mul3A_1 : i32
    %dma_start3A = arith.constant 0 : i32
    %dma_start3A_3 = arith.constant 0 : i32
    %dma_start3A_4 = tpu.memref_slice %arg7[%dma_start3A, %dma_start3A_3] : memref<80x125xi32, #tpu.memory_space<vmem>> -> memref<1x125xi32, #tpu.memory_space<vmem>>
    %dma_start3A_5 = tpu.memref_squeeze %dma_start3A_4 : memref<1x125xi32, #tpu.memory_space<vmem>> -> memref<125xi32, #tpu.memory_space<vmem>>
    %dma_start3A_6 = arith.constant 0 : i32
    %dma_start3A_7 = arith.constant 0 : i32
    %dma_start3A_8 = tpu.memref_slice %arg4[%dma_start3A_6, %dma_start3A_7] : memref<10000x16xf32, #tpu.memory_space<hbm>> -> memref<10000x16xf32, #tpu.memory_space<hbm>>
    tpu.enqueue_indirect_dma source(%dma_start3A_8 : memref<10000x16xf32, #tpu.memory_space<hbm>>) target(%arg9 : memref<125x16xf32, #tpu.memory_space<vmem>>) offsets(%dma_start3A_5 : memref<125xi32, #tpu.memory_space<vmem>>) semaphore(%arg13 : memref<!tpu.dma_semaphore, #tpu.memory_space<semaphore_mem>>)
    %dma_start3A_9 = arith.constant 0 : i32
    %dma_start3A_10 = arith.constant 0 : i32
    %dma_start3A_11 = tpu.memref_slice %arg8[%dma_start3A_9, %dma_start3A_10] : memref<80x125xi32, #tpu.memory_space<vmem>> -> memref<1x125xi32, #tpu.memory_space<vmem>>
    %dma_start3A_12 = tpu.memref_squeeze %dma_start3A_11 : memref<1x125xi32, #tpu.memory_space<vmem>> -> memref<125xi32, #tpu.memory_space<vmem>>
    %dma_start3A_13 = arith.constant 0 : i32
    %dma_start3A_14 = arith.constant 0 : i32
    %dma_start3A_15 = tpu.memref_slice %arg4[%dma_start3A_13, %dma_start3A_14] : memref<10000x16xf32, #tpu.memory_space<hbm>> -> memref<10000x16xf32, #tpu.memory_space<hbm>>
    tpu.enqueue_indirect_dma source(%dma_start3A_15 : memref<10000x16xf32, #tpu.memory_space<hbm>>) target(%arg10 : memref<125x16xf32, #tpu.memory_space<vmem>>) offsets(%dma_start3A_12 : memref<125xi32, #tpu.memory_space<vmem>>) semaphore(%arg13 : memref<!tpu.dma_semaphore, #tpu.memory_space<semaphore_mem>>)
    %scan3A = arith.constant 0 : i32
    %scan3A_16 = arith.constant 0 : i32
    %scan3A_17 = arith.constant 39 : i32
    %scan3A_18 = arith.addi %scan3A_16, %scan3A_17 : i32
    %scan3A_19 = arith.constant 1 : i32
    scf.for %scan3A_50 = %scan3A_16 to %scan3A_18 step %scan3A_19  : i32 {
      %mul3A_51 = arith.constant 2 : i32
      %mul3A_52 = arith.muli %mul3A_51, %scan3A_50 : i32
      %add3A_53 = arith.constant 1 : i32
      %add3A_54 = arith.addi %mul3A_52, %add3A_53 : i32
      %dma_start3A_55 = arith.constant 0 : i32
      %dma_start3A_56 = tpu.memref_slice %arg7[%add3A_54, %dma_start3A_55] : memref<80x125xi32, #tpu.memory_space<vmem>> -> memref<1x125xi32, #tpu.memory_space<vmem>>
      %dma_start3A_57 = tpu.memref_squeeze %dma_start3A_56 : memref<1x125xi32, #tpu.memory_space<vmem>> -> memref<125xi32, #tpu.memory_space<vmem>>
      %dma_start3A_58 = arith.constant 0 : i32
      %dma_start3A_59 = arith.constant 0 : i32
      %dma_start3A_60 = tpu.memref_slice %arg4[%dma_start3A_58, %dma_start3A_59] : memref<10000x16xf32, #tpu.memory_space<hbm>> -> memref<10000x16xf32, #tpu.memory_space<hbm>>
      tpu.enqueue_indirect_dma source(%dma_start3A_60 : memref<10000x16xf32, #tpu.memory_space<hbm>>) target(%arg11 : memref<125x16xf32, #tpu.memory_space<vmem>>) offsets(%dma_start3A_57 : memref<125xi32, #tpu.memory_space<vmem>>) semaphore(%arg14 : memref<!tpu.dma_semaphore, #tpu.memory_space<semaphore_mem>>)
      %dma_start3A_61 = arith.constant 0 : i32
      %dma_start3A_62 = tpu.memref_slice %arg8[%add3A_54, %dma_start3A_61] : memref<80x125xi32, #tpu.memory_space<vmem>> -> memref<1x125xi32, #tpu.memory_space<vmem>>
      %dma_start3A_63 = tpu.memref_squeeze %dma_start3A_62 : memref<1x125xi32, #tpu.memory_space<vmem>> -> memref<125xi32, #tpu.memory_space<vmem>>
      %dma_start3A_64 = arith.constant 0 : i32
      %dma_start3A_65 = arith.constant 0 : i32
      %dma_start3A_66 = tpu.memref_slice %arg4[%dma_start3A_64, %dma_start3A_65] : memref<10000x16xf32, #tpu.memory_space<hbm>> -> memref<10000x16xf32, #tpu.memory_space<hbm>>
      tpu.enqueue_indirect_dma source(%dma_start3A_66 : memref<10000x16xf32, #tpu.memory_space<hbm>>) target(%arg12 : memref<125x16xf32, #tpu.memory_space<vmem>>) offsets(%dma_start3A_63 : memref<125xi32, #tpu.memory_space<vmem>>) semaphore(%arg14 : memref<!tpu.dma_semaphore, #tpu.memory_space<semaphore_mem>>)
      %dma_wait3A_67 = arith.constant 0 : i32
      %dma_wait3A_68 = arith.constant 0 : i32
      %dma_wait3A_69 = tpu.memref_slice %arg4[%dma_wait3A_67, %dma_wait3A_68] : memref<10000x16xf32, #tpu.memory_space<hbm>> -> memref<125x16xf32, #tpu.memory_space<hbm>>
      %dma_wait3A_70 = arith.constant 0 : i32
      %dma_wait3A_71 = arith.constant 0 : i32
      %dma_wait3A_72 = tpu.memref_slice %arg4[%dma_wait3A_70, %dma_wait3A_71] : memref<10000x16xf32, #tpu.memory_space<hbm>> -> memref<125x16xf32, #tpu.memory_space<hbm>>
      tpu.wait_dma2 semaphore(%arg13 : memref<!tpu.dma_semaphore, #tpu.memory_space<semaphore_mem>>) src(%dma_wait3A_72 : memref<125x16xf32, #tpu.memory_space<hbm>>) dst(%arg9 : memref<125x16xf32, #tpu.memory_space<vmem>>)
      %dma_wait3A_73 = arith.constant 0 : i32
      %dma_wait3A_74 = arith.constant 0 : i32
      %dma_wait3A_75 = tpu.memref_slice %arg4[%dma_wait3A_73, %dma_wait3A_74] : memref<10000x16xf32, #tpu.memory_space<hbm>> -> memref<125x16xf32, #tpu.memory_space<hbm>>
      %dma_wait3A_76 = arith.constant 0 : i32
      %dma_wait3A_77 = arith.constant 0 : i32
      %dma_wait3A_78 = tpu.memref_slice %arg4[%dma_wait3A_76, %dma_wait3A_77] : memref<10000x16xf32, #tpu.memory_space<hbm>> -> memref<125x16xf32, #tpu.memory_space<hbm>>
      tpu.wait_dma2 semaphore(%arg13 : memref<!tpu.dma_semaphore, #tpu.memory_space<semaphore_mem>>) src(%dma_wait3A_78 : memref<125x16xf32, #tpu.memory_space<hbm>>) dst(%arg10 : memref<125x16xf32, #tpu.memory_space<vmem>>)
      %mul3A_79 = arith.constant 2 : i32
      %mul3A_80 = arith.muli %mul3A_79, %scan3A_50 : i32
      %add3A_81 = arith.addi %mul3A_2, %mul3A_80 : i32
      "tpu.region"() ({
        %run_scoped3A = tpu.sem_alloc : memref<!tpu.dma_semaphore, #tpu.memory_space<semaphore_mem>>
        %dma_start3A_103 = arith.constant 0 : i32
        %dma_start3A_104 = arith.constant 0 : i32
        %dma_start3A_105 = tpu.memref_slice %arg5[%add3A_81, %dma_start3A_103, %dma_start3A_104] : memref<2560x125x16xf32, #tpu.memory_space<hbm>> -> memref<1x125x16xf32, #tpu.memory_space<hbm>>
        %dma_start3A_106 = tpu.memref_squeeze %dma_start3A_105 : memref<1x125x16xf32, #tpu.memory_space<hbm>> -> memref<125x16xf32, #tpu.memory_space<hbm>>
        %dma_start3A_107 = arith.constant 0 : i32
        %dma_start3A_108 = arith.constant 0 : i32
        %dma_start3A_109 = tpu.memref_slice %arg5[%add3A_81, %dma_start3A_107, %dma_start3A_108] : memref<2560x125x16xf32, #tpu.memory_space<hbm>> -> memref<1x125x16xf32, #tpu.memory_space<hbm>>
        %dma_start3A_110 = tpu.memref_squeeze %dma_start3A_109 : memref<1x125x16xf32, #tpu.memory_space<hbm>> -> memref<125x16xf32, #tpu.memory_space<hbm>>
        tpu.enqueue_dma source(%arg9 : memref<125x16xf32, #tpu.memory_space<vmem>>) target(%dma_start3A_110 : memref<125x16xf32, #tpu.memory_space<hbm>>) target_semaphore(%run_scoped3A : memref<!tpu.dma_semaphore, #tpu.memory_space<semaphore_mem>>)
        %dma_wait3A_111 = arith.constant 0 : i32
        %dma_wait3A_112 = arith.constant 0 : i32
        %dma_wait3A_113 = tpu.memref_slice %arg5[%add3A_81, %dma_wait3A_111, %dma_wait3A_112] : memref<2560x125x16xf32, #tpu.memory_space<hbm>> -> memref<1x125x16xf32, #tpu.memory_space<hbm>>
        %dma_wait3A_114 = tpu.memref_squeeze %dma_wait3A_113 : memref<1x125x16xf32, #tpu.memory_space<hbm>> -> memref<125x16xf32, #tpu.memory_space<hbm>>
        %dma_wait3A_115 = arith.constant 0 : i32
        %dma_wait3A_116 = arith.constant 0 : i32
        %dma_wait3A_117 = tpu.memref_slice %arg5[%add3A_81, %dma_wait3A_115, %dma_wait3A_116] : memref<2560x125x16xf32, #tpu.memory_space<hbm>> -> memref<1x125x16xf32, #tpu.memory_space<hbm>>
        %dma_wait3A_118 = tpu.memref_squeeze %dma_wait3A_117 : memref<1x125x16xf32, #tpu.memory_space<hbm>> -> memref<125x16xf32, #tpu.memory_space<hbm>>
        tpu.wait_dma2 semaphore(%run_scoped3A : memref<!tpu.dma_semaphore, #tpu.memory_space<semaphore_mem>>) src(%arg9 : memref<125x16xf32, #tpu.memory_space<vmem>>) dst(%dma_wait3A_118 : memref<125x16xf32, #tpu.memory_space<hbm>>)
        tpu.yield
      }) : () -> ()
      %add3A_82 = arith.addi %mul3A_2, %mul3A_80 : i32
      "tpu.region"() ({
        %run_scoped3A = tpu.sem_alloc : memref<!tpu.dma_semaphore, #tpu.memory_space<semaphore_mem>>
        %dma_start3A_103 = arith.constant 0 : i32
        %dma_start3A_104 = arith.constant 0 : i32
        %dma_start3A_105 = tpu.memref_slice %arg6[%add3A_82, %dma_start3A_103, %dma_start3A_104] : memref<2560x125x16xf32, #tpu.memory_space<hbm>> -> memref<1x125x16xf32, #tpu.memory_space<hbm>>
        %dma_start3A_106 = tpu.memref_squeeze %dma_start3A_105 : memref<1x125x16xf32, #tpu.memory_space<hbm>> -> memref<125x16xf32, #tpu.memory_space<hbm>>
        %dma_start3A_107 = arith.constant 0 : i32
        %dma_start3A_108 = arith.constant 0 : i32
        %dma_start3A_109 = tpu.memref_slice %arg6[%add3A_82, %dma_start3A_107, %dma_start3A_108] : memref<2560x125x16xf32, #tpu.memory_space<hbm>> -> memref<1x125x16xf32, #tpu.memory_space<hbm>>
        %dma_start3A_110 = tpu.memref_squeeze %dma_start3A_109 : memref<1x125x16xf32, #tpu.memory_space<hbm>> -> memref<125x16xf32, #tpu.memory_space<hbm>>
        tpu.enqueue_dma source(%arg10 : memref<125x16xf32, #tpu.memory_space<vmem>>) target(%dma_start3A_110 : memref<125x16xf32, #tpu.memory_space<hbm>>) target_semaphore(%run_scoped3A : memref<!tpu.dma_semaphore, #tpu.memory_space<semaphore_mem>>)
        %dma_wait3A_111 = arith.constant 0 : i32
        %dma_wait3A_112 = arith.constant 0 : i32
        %dma_wait3A_113 = tpu.memref_slice %arg6[%add3A_82, %dma_wait3A_111, %dma_wait3A_112] : memref<2560x125x16xf32, #tpu.memory_space<hbm>> -> memref<1x125x16xf32, #tpu.memory_space<hbm>>
        %dma_wait3A_114 = tpu.memref_squeeze %dma_wait3A_113 : memref<1x125x16xf32, #tpu.memory_space<hbm>> -> memref<125x16xf32, #tpu.memory_space<hbm>>
        %dma_wait3A_115 = arith.constant 0 : i32
        %dma_wait3A_116 = arith.constant 0 : i32
        %dma_wait3A_117 = tpu.memref_slice %arg6[%add3A_82, %dma_wait3A_115, %dma_wait3A_116] : memref<2560x125x16xf32, #tpu.memory_space<hbm>> -> memref<1x125x16xf32, #tpu.memory_space<hbm>>
        %dma_wait3A_118 = tpu.memref_squeeze %dma_wait3A_117 : memref<1x125x16xf32, #tpu.memory_space<hbm>> -> memref<125x16xf32, #tpu.memory_space<hbm>>
        tpu.wait_dma2 semaphore(%run_scoped3A : memref<!tpu.dma_semaphore, #tpu.memory_space<semaphore_mem>>) src(%arg10 : memref<125x16xf32, #tpu.memory_space<vmem>>) dst(%dma_wait3A_118 : memref<125x16xf32, #tpu.memory_space<hbm>>)
        tpu.yield
      }) : () -> ()
      %lt3A = arith.constant 38 : i32
      %lt3A_83 = arith.cmpi slt, %scan3A_50, %lt3A : i32
      %convert_element_type3A = arith.extui %lt3A_83 : i1 to i32
      %cond3A = arith.constant 0 : i32
      %cond3A_84 = arith.cmpi ne, %convert_element_type3A, %cond3A : i32
      scf.if %cond3A_84 {
        %mul3A_103 = arith.constant 2 : i32
        %mul3A_104 = arith.muli %mul3A_103, %scan3A_50 : i32
        %add3A_105 = arith.constant 2 : i32
        %add3A_106 = arith.addi %mul3A_104, %add3A_105 : i32
        %dma_start3A_107 = arith.constant 0 : i32
        %dma_start3A_108 = tpu.memref_slice %arg7[%add3A_106, %dma_start3A_107] : memref<80x125xi32, #tpu.memory_space<vmem>> -> memref<1x125xi32, #tpu.memory_space<vmem>>
        %dma_start3A_109 = tpu.memref_squeeze %dma_start3A_108 : memref<1x125xi32, #tpu.memory_space<vmem>> -> memref<125xi32, #tpu.memory_space<vmem>>
        %dma_start3A_110 = arith.constant 0 : i32
        %dma_start3A_111 = arith.constant 0 : i32
        %dma_start3A_112 = tpu.memref_slice %arg4[%dma_start3A_110, %dma_start3A_111] : memref<10000x16xf32, #tpu.memory_space<hbm>> -> memref<10000x16xf32, #tpu.memory_space<hbm>>
        tpu.enqueue_indirect_dma source(%dma_start3A_112 : memref<10000x16xf32, #tpu.memory_space<hbm>>) target(%arg9 : memref<125x16xf32, #tpu.memory_space<vmem>>) offsets(%dma_start3A_109 : memref<125xi32, #tpu.memory_space<vmem>>) semaphore(%arg13 : memref<!tpu.dma_semaphore, #tpu.memory_space<semaphore_mem>>)
        %dma_start3A_113 = arith.constant 0 : i32
        %dma_start3A_114 = tpu.memref_slice %arg8[%add3A_106, %dma_start3A_113] : memref<80x125xi32, #tpu.memory_space<vmem>> -> memref<1x125xi32, #tpu.memory_space<vmem>>
        %dma_start3A_115 = tpu.memref_squeeze %dma_start3A_114 : memref<1x125xi32, #tpu.memory_space<vmem>> -> memref<125xi32, #tpu.memory_space<vmem>>
        %dma_start3A_116 = arith.constant 0 : i32
        %dma_start3A_117 = arith.constant 0 : i32
        %dma_start3A_118 = tpu.memref_slice %arg4[%dma_start3A_116, %dma_start3A_117] : memref<10000x16xf32, #tpu.memory_space<hbm>> -> memref<10000x16xf32, #tpu.memory_space<hbm>>
        tpu.enqueue_indirect_dma source(%dma_start3A_118 : memref<10000x16xf32, #tpu.memory_space<hbm>>) target(%arg10 : memref<125x16xf32, #tpu.memory_space<vmem>>) offsets(%dma_start3A_115 : memref<125xi32, #tpu.memory_space<vmem>>) semaphore(%arg13 : memref<!tpu.dma_semaphore, #tpu.memory_space<semaphore_mem>>)
      } else {
      }
      %dma_wait3A_85 = arith.constant 0 : i32
      %dma_wait3A_86 = arith.constant 0 : i32
      %dma_wait3A_87 = tpu.memref_slice %arg4[%dma_wait3A_85, %dma_wait3A_86] : memref<10000x16xf32, #tpu.memory_space<hbm>> -> memref<125x16xf32, #tpu.memory_space<hbm>>
      %dma_wait3A_88 = arith.constant 0 : i32
      %dma_wait3A_89 = arith.constant 0 : i32
      %dma_wait3A_90 = tpu.memref_slice %arg4[%dma_wait3A_88, %dma_wait3A_89] : memref<10000x16xf32, #tpu.memory_space<hbm>> -> memref<125x16xf32, #tpu.memory_space<hbm>>
      tpu.wait_dma2 semaphore(%arg14 : memref<!tpu.dma_semaphore, #tpu.memory_space<semaphore_mem>>) src(%dma_wait3A_90 : memref<125x16xf32, #tpu.memory_space<hbm>>) dst(%arg11 : memref<125x16xf32, #tpu.memory_space<vmem>>)
      %dma_wait3A_91 = arith.constant 0 : i32
      %dma_wait3A_92 = arith.constant 0 : i32
      %dma_wait3A_93 = tpu.memref_slice %arg4[%dma_wait3A_91, %dma_wait3A_92] : memref<10000x16xf32, #tpu.memory_space<hbm>> -> memref<125x16xf32, #tpu.memory_space<hbm>>
      %dma_wait3A_94 = arith.constant 0 : i32
      %dma_wait3A_95 = arith.constant 0 : i32
      %dma_wait3A_96 = tpu.memref_slice %arg4[%dma_wait3A_94, %dma_wait3A_95] : memref<10000x16xf32, #tpu.memory_space<hbm>> -> memref<125x16xf32, #tpu.memory_space<hbm>>
      tpu.wait_dma2 semaphore(%arg14 : memref<!tpu.dma_semaphore, #tpu.memory_space<semaphore_mem>>) src(%dma_wait3A_96 : memref<125x16xf32, #tpu.memory_space<hbm>>) dst(%arg12 : memref<125x16xf32, #tpu.memory_space<vmem>>)
      %mul3A_97 = arith.constant 2 : i32
      %mul3A_98 = arith.muli %mul3A_97, %scan3A_50 : i32
      %add3A_99 = arith.constant 1 : i32
      %add3A_100 = arith.addi %mul3A_98, %add3A_99 : i32
      %add3A_101 = arith.addi %mul3A_2, %add3A_100 : i32
      "tpu.region"() ({
        %run_scoped3A = tpu.sem_alloc : memref<!tpu.dma_semaphore, #tpu.memory_space<semaphore_mem>>
        %dma_start3A_103 = arith.constant 0 : i32
        %dma_start3A_104 = arith.constant 0 : i32
        %dma_start3A_105 = tpu.memref_slice %arg5[%add3A_101, %dma_start3A_103, %dma_start3A_104] : memref<2560x125x16xf32, #tpu.memory_space<hbm>> -> memref<1x125x16xf32, #tpu.memory_space<hbm>>
        %dma_start3A_106 = tpu.memref_squeeze %dma_start3A_105 : memref<1x125x16xf32, #tpu.memory_space<hbm>> -> memref<125x16xf32, #tpu.memory_space<hbm>>
        %dma_start3A_107 = arith.constant 0 : i32
        %dma_start3A_108 = arith.constant 0 : i32
        %dma_start3A_109 = tpu.memref_slice %arg5[%add3A_101, %dma_start3A_107, %dma_start3A_108] : memref<2560x125x16xf32, #tpu.memory_space<hbm>> -> memref<1x125x16xf32, #tpu.memory_space<hbm>>
        %dma_start3A_110 = tpu.memref_squeeze %dma_start3A_109 : memref<1x125x16xf32, #tpu.memory_space<hbm>> -> memref<125x16xf32, #tpu.memory_space<hbm>>
        tpu.enqueue_dma source(%arg11 : memref<125x16xf32, #tpu.memory_space<vmem>>) target(%dma_start3A_110 : memref<125x16xf32, #tpu.memory_space<hbm>>) target_semaphore(%run_scoped3A : memref<!tpu.dma_semaphore, #tpu.memory_space<semaphore_mem>>)
        %dma_wait3A_111 = arith.constant 0 : i32
        %dma_wait3A_112 = arith.constant 0 : i32
        %dma_wait3A_113 = tpu.memref_slice %arg5[%add3A_101, %dma_wait3A_111, %dma_wait3A_112] : memref<2560x125x16xf32, #tpu.memory_space<hbm>> -> memref<1x125x16xf32, #tpu.memory_space<hbm>>
        %dma_wait3A_114 = tpu.memref_squeeze %dma_wait3A_113 : memref<1x125x16xf32, #tpu.memory_space<hbm>> -> memref<125x16xf32, #tpu.memory_space<hbm>>
        %dma_wait3A_115 = arith.constant 0 : i32
        %dma_wait3A_116 = arith.constant 0 : i32
        %dma_wait3A_117 = tpu.memref_slice %arg5[%add3A_101, %dma_wait3A_115, %dma_wait3A_116] : memref<2560x125x16xf32, #tpu.memory_space<hbm>> -> memref<1x125x16xf32, #tpu.memory_space<hbm>>
        %dma_wait3A_118 = tpu.memref_squeeze %dma_wait3A_117 : memref<1x125x16xf32, #tpu.memory_space<hbm>> -> memref<125x16xf32, #tpu.memory_space<hbm>>
        tpu.wait_dma2 semaphore(%run_scoped3A : memref<!tpu.dma_semaphore, #tpu.memory_space<semaphore_mem>>) src(%arg11 : memref<125x16xf32, #tpu.memory_space<vmem>>) dst(%dma_wait3A_118 : memref<125x16xf32, #tpu.memory_space<hbm>>)
        tpu.yield
      }) : () -> ()
      %add3A_102 = arith.addi %mul3A_2, %add3A_100 : i32
      "tpu.region"() ({
        %run_scoped3A = tpu.sem_alloc : memref<!tpu.dma_semaphore, #tpu.memory_space<semaphore_mem>>
        %dma_start3A_103 = arith.constant 0 : i32
        %dma_start3A_104 = arith.constant 0 : i32
        %dma_start3A_105 = tpu.memref_slice %arg6[%add3A_102, %dma_start3A_103, %dma_start3A_104] : memref<2560x125x16xf32, #tpu.memory_space<hbm>> -> memref<1x125x16xf32, #tpu.memory_space<hbm>>
        %dma_start3A_106 = tpu.memref_squeeze %dma_start3A_105 : memref<1x125x16xf32, #tpu.memory_space<hbm>> -> memref<125x16xf32, #tpu.memory_space<hbm>>
        %dma_start3A_107 = arith.constant 0 : i32
        %dma_start3A_108 = arith.constant 0 : i32
        %dma_start3A_109 = tpu.memref_slice %arg6[%add3A_102, %dma_start3A_107, %dma_start3A_108] : memref<2560x125x16xf32, #tpu.memory_space<hbm>> -> memref<1x125x16xf32, #tpu.memory_space<hbm>>
        %dma_start3A_110 = tpu.memref_squeeze %dma_start3A_109 : memref<1x125x16xf32, #tpu.memory_space<hbm>> -> memref<125x16xf32, #tpu.memory_space<hbm>>
        tpu.enqueue_dma source(%arg12 : memref<125x16xf32, #tpu.memory_space<vmem>>) target(%dma_start3A_110 : memref<125x16xf32, #tpu.memory_space<hbm>>) target_semaphore(%run_scoped3A : memref<!tpu.dma_semaphore, #tpu.memory_space<semaphore_mem>>)
        %dma_wait3A_111 = arith.constant 0 : i32
        %dma_wait3A_112 = arith.constant 0 : i32
        %dma_wait3A_113 = tpu.memref_slice %arg6[%add3A_102, %dma_wait3A_111, %dma_wait3A_112] : memref<2560x125x16xf32, #tpu.memory_space<hbm>> -> memref<1x125x16xf32, #tpu.memory_space<hbm>>
        %dma_wait3A_114 = tpu.memref_squeeze %dma_wait3A_113 : memref<1x125x16xf32, #tpu.memory_space<hbm>> -> memref<125x16xf32, #tpu.memory_space<hbm>>
        %dma_wait3A_115 = arith.constant 0 : i32
        %dma_wait3A_116 = arith.constant 0 : i32
        %dma_wait3A_117 = tpu.memref_slice %arg6[%add3A_102, %dma_wait3A_115, %dma_wait3A_116] : memref<2560x125x16xf32, #tpu.memory_space<hbm>> -> memref<1x125x16xf32, #tpu.memory_space<hbm>>
        %dma_wait3A_118 = tpu.memref_squeeze %dma_wait3A_117 : memref<1x125x16xf32, #tpu.memory_space<hbm>> -> memref<125x16xf32, #tpu.memory_space<hbm>>
        tpu.wait_dma2 semaphore(%run_scoped3A : memref<!tpu.dma_semaphore, #tpu.memory_space<semaphore_mem>>) src(%arg12 : memref<125x16xf32, #tpu.memory_space<vmem>>) dst(%dma_wait3A_118 : memref<125x16xf32, #tpu.memory_space<hbm>>)
        tpu.yield
      }) : () -> ()
    }
    %scan3A_20 = arith.constant 39 : i32
    %dma_start3A_21 = arith.constant 79 : i32
    %dma_start3A_22 = arith.constant 0 : i32
    %dma_start3A_23 = tpu.memref_slice %arg7[%dma_start3A_21, %dma_start3A_22] : memref<80x125xi32, #tpu.memory_space<vmem>> -> memref<1x125xi32, #tpu.memory_space<vmem>>
    %dma_start3A_24 = tpu.memref_squeeze %dma_start3A_23 : memref<1x125xi32, #tpu.memory_space<vmem>> -> memref<125xi32, #tpu.memory_space<vmem>>
    %dma_start3A_25 = arith.constant 0 : i32
    %dma_start3A_26 = arith.constant 0 : i32
    %dma_start3A_27 = tpu.memref_slice %arg4[%dma_start3A_25, %dma_start3A_26] : memref<10000x16xf32, #tpu.memory_space<hbm>> -> memref<10000x16xf32, #tpu.memory_space<hbm>>
    tpu.enqueue_indirect_dma source(%dma_start3A_27 : memref<10000x16xf32, #tpu.memory_space<hbm>>) target(%arg9 : memref<125x16xf32, #tpu.memory_space<vmem>>) offsets(%dma_start3A_24 : memref<125xi32, #tpu.memory_space<vmem>>) semaphore(%arg13 : memref<!tpu.dma_semaphore, #tpu.memory_space<semaphore_mem>>)
    %dma_start3A_28 = arith.constant 79 : i32
    %dma_start3A_29 = arith.constant 0 : i32
    %dma_start3A_30 = tpu.memref_slice %arg8[%dma_start3A_28, %dma_start3A_29] : memref<80x125xi32, #tpu.memory_space<vmem>> -> memref<1x125xi32, #tpu.memory_space<vmem>>
    %dma_start3A_31 = tpu.memref_squeeze %dma_start3A_30 : memref<1x125xi32, #tpu.memory_space<vmem>> -> memref<125xi32, #tpu.memory_space<vmem>>
    %dma_start3A_32 = arith.constant 0 : i32
    %dma_start3A_33 = arith.constant 0 : i32
    %dma_start3A_34 = tpu.memref_slice %arg4[%dma_start3A_32, %dma_start3A_33] : memref<10000x16xf32, #tpu.memory_space<hbm>> -> memref<10000x16xf32, #tpu.memory_space<hbm>>
    tpu.enqueue_indirect_dma source(%dma_start3A_34 : memref<10000x16xf32, #tpu.memory_space<hbm>>) target(%arg10 : memref<125x16xf32, #tpu.memory_space<vmem>>) offsets(%dma_start3A_31 : memref<125xi32, #tpu.memory_space<vmem>>) semaphore(%arg13 : memref<!tpu.dma_semaphore, #tpu.memory_space<semaphore_mem>>)
    %dma_wait3A = arith.constant 0 : i32
    %dma_wait3A_35 = arith.constant 0 : i32
    %dma_wait3A_36 = tpu.memref_slice %arg4[%dma_wait3A, %dma_wait3A_35] : memref<10000x16xf32, #tpu.memory_space<hbm>> -> memref<125x16xf32, #tpu.memory_space<hbm>>
    %dma_wait3A_37 = arith.constant 0 : i32
    %dma_wait3A_38 = arith.constant 0 : i32
    %dma_wait3A_39 = tpu.memref_slice %arg4[%dma_wait3A_37, %dma_wait3A_38] : memref<10000x16xf32, #tpu.memory_space<hbm>> -> memref<125x16xf32, #tpu.memory_space<hbm>>
    tpu.wait_dma2 semaphore(%arg13 : memref<!tpu.dma_semaphore, #tpu.memory_space<semaphore_mem>>) src(%dma_wait3A_39 : memref<125x16xf32, #tpu.memory_space<hbm>>) dst(%arg9 : memref<125x16xf32, #tpu.memory_space<vmem>>)
    %dma_wait3A_40 = arith.constant 0 : i32
    %dma_wait3A_41 = arith.constant 0 : i32
    %dma_wait3A_42 = tpu.memref_slice %arg4[%dma_wait3A_40, %dma_wait3A_41] : memref<10000x16xf32, #tpu.memory_space<hbm>> -> memref<125x16xf32, #tpu.memory_space<hbm>>
    %dma_wait3A_43 = arith.constant 0 : i32
    %dma_wait3A_44 = arith.constant 0 : i32
    %dma_wait3A_45 = tpu.memref_slice %arg4[%dma_wait3A_43, %dma_wait3A_44] : memref<10000x16xf32, #tpu.memory_space<hbm>> -> memref<125x16xf32, #tpu.memory_space<hbm>>
    tpu.wait_dma2 semaphore(%arg13 : memref<!tpu.dma_semaphore, #tpu.memory_space<semaphore_mem>>) src(%dma_wait3A_45 : memref<125x16xf32, #tpu.memory_space<hbm>>) dst(%arg10 : memref<125x16xf32, #tpu.memory_space<vmem>>)
    %add3A_46 = arith.constant 79 : i32
    %add3A_47 = arith.addi %mul3A_2, %add3A_46 : i32
    "tpu.region"() ({
      %run_scoped3A = tpu.sem_alloc : memref<!tpu.dma_semaphore, #tpu.memory_space<semaphore_mem>>
      %dma_start3A_50 = arith.constant 0 : i32
      %dma_start3A_51 = arith.constant 0 : i32
      %dma_start3A_52 = tpu.memref_slice %arg5[%add3A_47, %dma_start3A_50, %dma_start3A_51] : memref<2560x125x16xf32, #tpu.memory_space<hbm>> -> memref<1x125x16xf32, #tpu.memory_space<hbm>>
      %dma_start3A_53 = tpu.memref_squeeze %dma_start3A_52 : memref<1x125x16xf32, #tpu.memory_space<hbm>> -> memref<125x16xf32, #tpu.memory_space<hbm>>
      %dma_start3A_54 = arith.constant 0 : i32
      %dma_start3A_55 = arith.constant 0 : i32
      %dma_start3A_56 = tpu.memref_slice %arg5[%add3A_47, %dma_start3A_54, %dma_start3A_55] : memref<2560x125x16xf32, #tpu.memory_space<hbm>> -> memref<1x125x16xf32, #tpu.memory_space<hbm>>
      %dma_start3A_57 = tpu.memref_squeeze %dma_start3A_56 : memref<1x125x16xf32, #tpu.memory_space<hbm>> -> memref<125x16xf32, #tpu.memory_space<hbm>>
      tpu.enqueue_dma source(%arg9 : memref<125x16xf32, #tpu.memory_space<vmem>>) target(%dma_start3A_57 : memref<125x16xf32, #tpu.memory_space<hbm>>) target_semaphore(%run_scoped3A : memref<!tpu.dma_semaphore, #tpu.memory_space<semaphore_mem>>)
      %dma_wait3A_58 = arith.constant 0 : i32
      %dma_wait3A_59 = arith.constant 0 : i32
      %dma_wait3A_60 = tpu.memref_slice %arg5[%add3A_47, %dma_wait3A_58, %dma_wait3A_59] : memref<2560x125x16xf32, #tpu.memory_space<hbm>> -> memref<1x125x16xf32, #tpu.memory_space<hbm>>
      %dma_wait3A_61 = tpu.memref_squeeze %dma_wait3A_60 : memref<1x125x16xf32, #tpu.memory_space<hbm>> -> memref<125x16xf32, #tpu.memory_space<hbm>>
      %dma_wait3A_62 = arith.constant 0 : i32
      %dma_wait3A_63 = arith.constant 0 : i32
      %dma_wait3A_64 = tpu.memref_slice %arg5[%add3A_47, %dma_wait3A_62, %dma_wait3A_63] : memref<2560x125x16xf32, #tpu.memory_space<hbm>> -> memref<1x125x16xf32, #tpu.memory_space<hbm>>
      %dma_wait3A_65 = tpu.memref_squeeze %dma_wait3A_64 : memref<1x125x16xf32, #tpu.memory_space<hbm>> -> memref<125x16xf32, #tpu.memory_space<hbm>>
      tpu.wait_dma2 semaphore(%run_scoped3A : memref<!tpu.dma_semaphore, #tpu.memory_space<semaphore_mem>>) src(%arg9 : memref<125x16xf32, #tpu.memory_space<vmem>>) dst(%dma_wait3A_65 : memref<125x16xf32, #tpu.memory_space<hbm>>)
      tpu.yield
    }) : () -> ()
    %add3A_48 = arith.constant 79 : i32
    %add3A_49 = arith.addi %mul3A_2, %add3A_48 : i32
    "tpu.region"() ({
      %run_scoped3A = tpu.sem_alloc : memref<!tpu.dma_semaphore, #tpu.memory_space<semaphore_mem>>
      %dma_start3A_50 = arith.constant 0 : i32
      %dma_start3A_51 = arith.constant 0 : i32
      %dma_start3A_52 = tpu.memref_slice %arg6[%add3A_49, %dma_start3A_50, %dma_start3A_51] : memref<2560x125x16xf32, #tpu.memory_space<hbm>> -> memref<1x125x16xf32, #tpu.memory_space<hbm>>
      %dma_start3A_53 = tpu.memref_squeeze %dma_start3A_52 : memref<1x125x16xf32, #tpu.memory_space<hbm>> -> memref<125x16xf32, #tpu.memory_space<hbm>>
      %dma_start3A_54 = arith.constant 0 : i32
      %dma_start3A_55 = arith.constant 0 : i32
      %dma_start3A_56 = tpu.memref_slice %arg6[%add3A_49, %dma_start3A_54, %dma_start3A_55] : memref<2560x125x16xf32, #tpu.memory_space<hbm>> -> memref<1x125x16xf32, #tpu.memory_space<hbm>>
      %dma_start3A_57 = tpu.memref_squeeze %dma_start3A_56 : memref<1x125x16xf32, #tpu.memory_space<hbm>> -> memref<125x16xf32, #tpu.memory_space<hbm>>
      tpu.enqueue_dma source(%arg10 : memref<125x16xf32, #tpu.memory_space<vmem>>) target(%dma_start3A_57 : memref<125x16xf32, #tpu.memory_space<hbm>>) target_semaphore(%run_scoped3A : memref<!tpu.dma_semaphore, #tpu.memory_space<semaphore_mem>>)
      %dma_wait3A_58 = arith.constant 0 : i32
      %dma_wait3A_59 = arith.constant 0 : i32
      %dma_wait3A_60 = tpu.memref_slice %arg6[%add3A_49, %dma_wait3A_58, %dma_wait3A_59] : memref<2560x125x16xf32, #tpu.memory_space<hbm>> -> memref<1x125x16xf32, #tpu.memory_space<hbm>>
      %dma_wait3A_61 = tpu.memref_squeeze %dma_wait3A_60 : memref<1x125x16xf32, #tpu.memory_space<hbm>> -> memref<125x16xf32, #tpu.memory_space<hbm>>
      %dma_wait3A_62 = arith.constant 0 : i32
      %dma_wait3A_63 = arith.constant 0 : i32
      %dma_wait3A_64 = tpu.memref_slice %arg6[%add3A_49, %dma_wait3A_62, %dma_wait3A_63] : memref<2560x125x16xf32, #tpu.memory_space<hbm>> -> memref<1x125x16xf32, #tpu.memory_space<hbm>>
      %dma_wait3A_65 = tpu.memref_squeeze %dma_wait3A_64 : memref<1x125x16xf32, #tpu.memory_space<hbm>> -> memref<125x16xf32, #tpu.memory_space<hbm>>
      tpu.wait_dma2 semaphore(%run_scoped3A : memref<!tpu.dma_semaphore, #tpu.memory_space<semaphore_mem>>) src(%arg10 : memref<125x16xf32, #tpu.memory_space<vmem>>) dst(%dma_wait3A_65 : memref<125x16xf32, #tpu.memory_space<hbm>>)
      tpu.yield
    }) : () -> ()
    return
  }
}

module attributes {stable_mosaic.version = 14 : i64} {
  func.func @_edge_mlp_body(%arg0: i32, %arg1: memref<1600x128xf32, #tpu.memory_space<vmem>>, %arg2: memref<1600x128xf32, #tpu.memory_space<vmem>>, %arg3: memref<16x150xf32, #tpu.memory_space<vmem>>, %arg4: memref<16x150xf32, #tpu.memory_space<vmem>>, %arg5: memref<1x150xf32, #tpu.memory_space<vmem>>, %arg6: memref<150x150xf32, #tpu.memory_space<vmem>>, %arg7: memref<1x150xf32, #tpu.memory_space<vmem>>, %arg8: memref<150x150xf32, #tpu.memory_space<vmem>>, %arg9: memref<1x150xf32, #tpu.memory_space<vmem>>, %arg10: memref<150x150xf32, #tpu.memory_space<vmem>>, %arg11: memref<1x150xf32, #tpu.memory_space<vmem>>, %arg12: memref<150x150xf32, #tpu.memory_space<vmem>>, %arg13: memref<1x150xf32, #tpu.memory_space<vmem>>, %arg14: memref<150x64xf32, #tpu.memory_space<vmem>>, %arg15: memref<1x64xf32, #tpu.memory_space<vmem>>, %arg16: memref<6400x128xf32, #tpu.memory_space<vmem>>) attributes {dimension_semantics = [#tpu.dimension_semantics<arbitrary>], iteration_bounds = array<i64: 25>, scalar_prefetch = 0 : i64, scratch_operands = 0 : i64, tpu.core_type = #tpu.core_type<tc>, window_params = [{transform_indices = @transform_0, window_bounds = array<i64: 1600, 128>}, {transform_indices = @transform_1, window_bounds = array<i64: 1600, 128>}, {pipeline_mode = #tpu.pipeline_mode<synchronous>, transform_indices = @transform_2, window_bounds = array<i64: 16, 150>}, {pipeline_mode = #tpu.pipeline_mode<synchronous>, transform_indices = @transform_3, window_bounds = array<i64: 16, 150>}, {pipeline_mode = #tpu.pipeline_mode<synchronous>, transform_indices = @transform_4, window_bounds = array<i64: 1, 150>}, {pipeline_mode = #tpu.pipeline_mode<synchronous>, transform_indices = @transform_5, window_bounds = array<i64: 150, 150>}, {pipeline_mode = #tpu.pipeline_mode<synchronous>, transform_indices = @transform_6, window_bounds = array<i64: 1, 150>}, {pipeline_mode = #tpu.pipeline_mode<synchronous>, transform_indices = @transform_7, window_bounds = array<i64: 150, 150>}, {pipeline_mode = #tpu.pipeline_mode<synchronous>, transform_indices = @transform_8, window_bounds = array<i64: 1, 150>}, {pipeline_mode = #tpu.pipeline_mode<synchronous>, transform_indices = @transform_9, window_bounds = array<i64: 150, 150>}, {pipeline_mode = #tpu.pipeline_mode<synchronous>, transform_indices = @transform_10, window_bounds = array<i64: 1, 150>}, {pipeline_mode = #tpu.pipeline_mode<synchronous>, transform_indices = @transform_11, window_bounds = array<i64: 150, 150>}, {pipeline_mode = #tpu.pipeline_mode<synchronous>, transform_indices = @transform_12, window_bounds = array<i64: 1, 150>}, {pipeline_mode = #tpu.pipeline_mode<synchronous>, transform_indices = @transform_13, window_bounds = array<i64: 150, 64>}, {pipeline_mode = #tpu.pipeline_mode<synchronous>, transform_indices = @transform_14, window_bounds = array<i64: 1, 64>}, {transform_indices = @transform_15, window_bounds = array<i64: 6400, 128>}]} {
    %get3A = arith.constant 0 : index
    %get3A_0 = arith.constant 0 : index
    %get3A_1 = vector.load %arg1[%get3A, %get3A_0] : memref<1600x128xf32, #tpu.memory_space<vmem>>, vector<1600x128xf32>
    %get3A_2 = arith.constant 0 : index
    %get3A_3 = arith.constant 0 : index
    %get3A_4 = vector.load %arg2[%get3A_2, %get3A_3] : memref<1600x128xf32, #tpu.memory_space<vmem>>, vector<1600x128xf32>
    %get3A_5 = arith.constant 0 : index
    %get3A_6 = arith.constant 0 : index
    %get3A_7 = vector.load %arg3[%get3A_5, %get3A_6] : memref<16x150xf32, #tpu.memory_space<vmem>>, vector<16x150xf32>
    %get3A_8 = arith.constant 0 : index
    %get3A_9 = arith.constant 0 : index
    %get3A_10 = vector.load %arg4[%get3A_8, %get3A_9] : memref<16x150xf32, #tpu.memory_space<vmem>>, vector<16x150xf32>
    %slice3A = vector.extract_strided_slice %get3A_1 {offsets = [0, 0], sizes = [1600, 16], strides = [1, 1]} : vector<1600x128xf32> to vector<1600x16xf32>
    %dot_general3A = arith.constant dense<0.000000e+00> : vector<1600x150xf32>
    %dot_general3A_11 = tpu.matmul %slice3A, %get3A_7, %dot_general3A {dimension_numbers = #tpu.dot_dimension_numbers<[1], [0], [0], [1], [0, 0, 1, 1], [], []>, transpose_lhs_hint = false} : vector<1600x16xf32>, vector<16x150xf32>, vector<1600x150xf32> -> vector<1600x150xf32>
    %slice3A_12 = vector.extract_strided_slice %get3A_4 {offsets = [0, 0], sizes = [1600, 16], strides = [1, 1]} : vector<1600x128xf32> to vector<1600x16xf32>
    %dot_general3A_13 = arith.constant dense<0.000000e+00> : vector<1600x150xf32>
    %dot_general3A_14 = tpu.matmul %slice3A_12, %get3A_10, %dot_general3A_13 {dimension_numbers = #tpu.dot_dimension_numbers<[1], [0], [0], [1], [0, 0, 1, 1], [], []>, transpose_lhs_hint = false} : vector<1600x16xf32>, vector<16x150xf32>, vector<1600x150xf32> -> vector<1600x150xf32>
    %add3A = arith.addf %dot_general3A_11, %dot_general3A_14 : vector<1600x150xf32>
    %slice3A_15 = vector.extract_strided_slice %get3A_1 {offsets = [0, 16], sizes = [1600, 16], strides = [1, 1]} : vector<1600x128xf32> to vector<1600x16xf32>
    %dot_general3A_16 = arith.constant dense<0.000000e+00> : vector<1600x150xf32>
    %dot_general3A_17 = tpu.matmul %slice3A_15, %get3A_7, %dot_general3A_16 {dimension_numbers = #tpu.dot_dimension_numbers<[1], [0], [0], [1], [0, 0, 1, 1], [], []>, transpose_lhs_hint = false} : vector<1600x16xf32>, vector<16x150xf32>, vector<1600x150xf32> -> vector<1600x150xf32>
    %slice3A_18 = vector.extract_strided_slice %get3A_4 {offsets = [0, 16], sizes = [1600, 16], strides = [1, 1]} : vector<1600x128xf32> to vector<1600x16xf32>
    %dot_general3A_19 = arith.constant dense<0.000000e+00> : vector<1600x150xf32>
    %dot_general3A_20 = tpu.matmul %slice3A_18, %get3A_10, %dot_general3A_19 {dimension_numbers = #tpu.dot_dimension_numbers<[1], [0], [0], [1], [0, 0, 1, 1], [], []>, transpose_lhs_hint = false} : vector<1600x16xf32>, vector<16x150xf32>, vector<1600x150xf32> -> vector<1600x150xf32>
    %add3A_21 = arith.addf %dot_general3A_17, %dot_general3A_20 : vector<1600x150xf32>
    %slice3A_22 = vector.extract_strided_slice %get3A_1 {offsets = [0, 32], sizes = [1600, 16], strides = [1, 1]} : vector<1600x128xf32> to vector<1600x16xf32>
    %dot_general3A_23 = arith.constant dense<0.000000e+00> : vector<1600x150xf32>
    %dot_general3A_24 = tpu.matmul %slice3A_22, %get3A_7, %dot_general3A_23 {dimension_numbers = #tpu.dot_dimension_numbers<[1], [0], [0], [1], [0, 0, 1, 1], [], []>, transpose_lhs_hint = false} : vector<1600x16xf32>, vector<16x150xf32>, vector<1600x150xf32> -> vector<1600x150xf32>
    %slice3A_25 = vector.extract_strided_slice %get3A_4 {offsets = [0, 32], sizes = [1600, 16], strides = [1, 1]} : vector<1600x128xf32> to vector<1600x16xf32>
    %dot_general3A_26 = arith.constant dense<0.000000e+00> : vector<1600x150xf32>
    %dot_general3A_27 = tpu.matmul %slice3A_25, %get3A_10, %dot_general3A_26 {dimension_numbers = #tpu.dot_dimension_numbers<[1], [0], [0], [1], [0, 0, 1, 1], [], []>, transpose_lhs_hint = false} : vector<1600x16xf32>, vector<16x150xf32>, vector<1600x150xf32> -> vector<1600x150xf32>
    %add3A_28 = arith.addf %dot_general3A_24, %dot_general3A_27 : vector<1600x150xf32>
    %slice3A_29 = vector.extract_strided_slice %get3A_1 {offsets = [0, 48], sizes = [1600, 16], strides = [1, 1]} : vector<1600x128xf32> to vector<1600x16xf32>
    %dot_general3A_30 = arith.constant dense<0.000000e+00> : vector<1600x150xf32>
    %dot_general3A_31 = tpu.matmul %slice3A_29, %get3A_7, %dot_general3A_30 {dimension_numbers = #tpu.dot_dimension_numbers<[1], [0], [0], [1], [0, 0, 1, 1], [], []>, transpose_lhs_hint = false} : vector<1600x16xf32>, vector<16x150xf32>, vector<1600x150xf32> -> vector<1600x150xf32>
    %slice3A_32 = vector.extract_strided_slice %get3A_4 {offsets = [0, 48], sizes = [1600, 16], strides = [1, 1]} : vector<1600x128xf32> to vector<1600x16xf32>
    %dot_general3A_33 = arith.constant dense<0.000000e+00> : vector<1600x150xf32>
    %dot_general3A_34 = tpu.matmul %slice3A_32, %get3A_10, %dot_general3A_33 {dimension_numbers = #tpu.dot_dimension_numbers<[1], [0], [0], [1], [0, 0, 1, 1], [], []>, transpose_lhs_hint = false} : vector<1600x16xf32>, vector<16x150xf32>, vector<1600x150xf32> -> vector<1600x150xf32>
    %add3A_35 = arith.addf %dot_general3A_31, %dot_general3A_34 : vector<1600x150xf32>
    %slice3A_36 = vector.extract_strided_slice %get3A_1 {offsets = [0, 64], sizes = [1600, 16], strides = [1, 1]} : vector<1600x128xf32> to vector<1600x16xf32>
    %dot_general3A_37 = arith.constant dense<0.000000e+00> : vector<1600x150xf32>
    %dot_general3A_38 = tpu.matmul %slice3A_36, %get3A_7, %dot_general3A_37 {dimension_numbers = #tpu.dot_dimension_numbers<[1], [0], [0], [1], [0, 0, 1, 1], [], []>, transpose_lhs_hint = false} : vector<1600x16xf32>, vector<16x150xf32>, vector<1600x150xf32> -> vector<1600x150xf32>
    %slice3A_39 = vector.extract_strided_slice %get3A_4 {offsets = [0, 64], sizes = [1600, 16], strides = [1, 1]} : vector<1600x128xf32> to vector<1600x16xf32>
    %dot_general3A_40 = arith.constant dense<0.000000e+00> : vector<1600x150xf32>
    %dot_general3A_41 = tpu.matmul %slice3A_39, %get3A_10, %dot_general3A_40 {dimension_numbers = #tpu.dot_dimension_numbers<[1], [0], [0], [1], [0, 0, 1, 1], [], []>, transpose_lhs_hint = false} : vector<1600x16xf32>, vector<16x150xf32>, vector<1600x150xf32> -> vector<1600x150xf32>
    %add3A_42 = arith.addf %dot_general3A_38, %dot_general3A_41 : vector<1600x150xf32>
    %slice3A_43 = vector.extract_strided_slice %get3A_1 {offsets = [0, 80], sizes = [1600, 16], strides = [1, 1]} : vector<1600x128xf32> to vector<1600x16xf32>
    %dot_general3A_44 = arith.constant dense<0.000000e+00> : vector<1600x150xf32>
    %dot_general3A_45 = tpu.matmul %slice3A_43, %get3A_7, %dot_general3A_44 {dimension_numbers = #tpu.dot_dimension_numbers<[1], [0], [0], [1], [0, 0, 1, 1], [], []>, transpose_lhs_hint = false} : vector<1600x16xf32>, vector<16x150xf32>, vector<1600x150xf32> -> vector<1600x150xf32>
    %slice3A_46 = vector.extract_strided_slice %get3A_4 {offsets = [0, 80], sizes = [1600, 16], strides = [1, 1]} : vector<1600x128xf32> to vector<1600x16xf32>
    %dot_general3A_47 = arith.constant dense<0.000000e+00> : vector<1600x150xf32>
    %dot_general3A_48 = tpu.matmul %slice3A_46, %get3A_10, %dot_general3A_47 {dimension_numbers = #tpu.dot_dimension_numbers<[1], [0], [0], [1], [0, 0, 1, 1], [], []>, transpose_lhs_hint = false} : vector<1600x16xf32>, vector<16x150xf32>, vector<1600x150xf32> -> vector<1600x150xf32>
    %add3A_49 = arith.addf %dot_general3A_45, %dot_general3A_48 : vector<1600x150xf32>
    %slice3A_50 = vector.extract_strided_slice %get3A_1 {offsets = [0, 96], sizes = [1600, 16], strides = [1, 1]} : vector<1600x128xf32> to vector<1600x16xf32>
    %dot_general3A_51 = arith.constant dense<0.000000e+00> : vector<1600x150xf32>
    %dot_general3A_52 = tpu.matmul %slice3A_50, %get3A_7, %dot_general3A_51 {dimension_numbers = #tpu.dot_dimension_numbers<[1], [0], [0], [1], [0, 0, 1, 1], [], []>, transpose_lhs_hint = false} : vector<1600x16xf32>, vector<16x150xf32>, vector<1600x150xf32> -> vector<1600x150xf32>
    %slice3A_53 = vector.extract_strided_slice %get3A_4 {offsets = [0, 96], sizes = [1600, 16], strides = [1, 1]} : vector<1600x128xf32> to vector<1600x16xf32>
    %dot_general3A_54 = arith.constant dense<0.000000e+00> : vector<1600x150xf32>
    %dot_general3A_55 = tpu.matmul %slice3A_53, %get3A_10, %dot_general3A_54 {dimension_numbers = #tpu.dot_dimension_numbers<[1], [0], [0], [1], [0, 0, 1, 1], [], []>, transpose_lhs_hint = false} : vector<1600x16xf32>, vector<16x150xf32>, vector<1600x150xf32> -> vector<1600x150xf32>
    %add3A_56 = arith.addf %dot_general3A_52, %dot_general3A_55 : vector<1600x150xf32>
    %slice3A_57 = vector.extract_strided_slice %get3A_1 {offsets = [0, 112], sizes = [1600, 16], strides = [1, 1]} : vector<1600x128xf32> to vector<1600x16xf32>
    %dot_general3A_58 = arith.constant dense<0.000000e+00> : vector<1600x150xf32>
    %dot_general3A_59 = tpu.matmul %slice3A_57, %get3A_7, %dot_general3A_58 {dimension_numbers = #tpu.dot_dimension_numbers<[1], [0], [0], [1], [0, 0, 1, 1], [], []>, transpose_lhs_hint = false} : vector<1600x16xf32>, vector<16x150xf32>, vector<1600x150xf32> -> vector<1600x150xf32>
    %slice3A_60 = vector.extract_strided_slice %get3A_4 {offsets = [0, 112], sizes = [1600, 16], strides = [1, 1]} : vector<1600x128xf32> to vector<1600x16xf32>
    %dot_general3A_61 = arith.constant dense<0.000000e+00> : vector<1600x150xf32>
    %dot_general3A_62 = tpu.matmul %slice3A_60, %get3A_10, %dot_general3A_61 {dimension_numbers = #tpu.dot_dimension_numbers<[1], [0], [0], [1], [0, 0, 1, 1], [], []>, transpose_lhs_hint = false} : vector<1600x16xf32>, vector<16x150xf32>, vector<1600x150xf32> -> vector<1600x150xf32>
    %add3A_63 = arith.addf %dot_general3A_59, %dot_general3A_62 : vector<1600x150xf32>
    %concatenate3A = tpu.concatenate %add3A, %add3A_21, %add3A_28, %add3A_35, %add3A_42, %add3A_49, %add3A_56, %add3A_63 in 0 : vector<1600x150xf32>, vector<1600x150xf32>, vector<1600x150xf32>, vector<1600x150xf32>, vector<1600x150xf32>, vector<1600x150xf32>, vector<1600x150xf32>, vector<1600x150xf32> -> vector<12800x150xf32>
    %get3A_64 = arith.constant 0 : index
    %get3A_65 = arith.constant 0 : index
    %get3A_66 = vector.load %arg5[%get3A_64, %get3A_65] : memref<1x150xf32, #tpu.memory_space<vmem>>, vector<1x150xf32>
    %add3A_67 = vector.broadcast %get3A_66 : vector<1x150xf32> to vector<12800x150xf32>
    %add3A_68 = arith.addf %concatenate3A, %add3A_67 : vector<12800x150xf32>
    %max3A = arith.constant 0.000000e+00 : f32
    %max3A_69 = vector.broadcast %max3A : f32 to vector<12800x150xf32>
    %max3A_70 = arith.maximumf %add3A_68, %max3A_69 : vector<12800x150xf32>
    %get3A_71 = arith.constant 0 : index
    %get3A_72 = arith.constant 0 : index
    %get3A_73 = vector.load %arg6[%get3A_71, %get3A_72] : memref<150x150xf32, #tpu.memory_space<vmem>>, vector<150x150xf32>
    %dot_general3A_74 = arith.constant dense<0.000000e+00> : vector<12800x150xf32>
    %dot_general3A_75 = tpu.matmul %max3A_70, %get3A_73, %dot_general3A_74 {dimension_numbers = #tpu.dot_dimension_numbers<[1], [0], [0], [1], [0, 0, 1, 1], [], []>, transpose_lhs_hint = false} : vector<12800x150xf32>, vector<150x150xf32>, vector<12800x150xf32> -> vector<12800x150xf32>
    %get3A_76 = arith.constant 0 : index
    %get3A_77 = arith.constant 0 : index
    %get3A_78 = vector.load %arg7[%get3A_76, %get3A_77] : memref<1x150xf32, #tpu.memory_space<vmem>>, vector<1x150xf32>
    %add3A_79 = vector.broadcast %get3A_78 : vector<1x150xf32> to vector<12800x150xf32>
    %add3A_80 = arith.addf %dot_general3A_75, %add3A_79 : vector<12800x150xf32>
    %max3A_81 = arith.constant 0.000000e+00 : f32
    %max3A_82 = vector.broadcast %max3A_81 : f32 to vector<12800x150xf32>
    %max3A_83 = arith.maximumf %add3A_80, %max3A_82 : vector<12800x150xf32>
    %get3A_84 = arith.constant 0 : index
    %get3A_85 = arith.constant 0 : index
    %get3A_86 = vector.load %arg8[%get3A_84, %get3A_85] : memref<150x150xf32, #tpu.memory_space<vmem>>, vector<150x150xf32>
    %dot_general3A_87 = arith.constant dense<0.000000e+00> : vector<12800x150xf32>
    %dot_general3A_88 = tpu.matmul %max3A_83, %get3A_86, %dot_general3A_87 {dimension_numbers = #tpu.dot_dimension_numbers<[1], [0], [0], [1], [0, 0, 1, 1], [], []>, transpose_lhs_hint = false} : vector<12800x150xf32>, vector<150x150xf32>, vector<12800x150xf32> -> vector<12800x150xf32>
    %get3A_89 = arith.constant 0 : index
    %get3A_90 = arith.constant 0 : index
    %get3A_91 = vector.load %arg9[%get3A_89, %get3A_90] : memref<1x150xf32, #tpu.memory_space<vmem>>, vector<1x150xf32>
    %add3A_92 = vector.broadcast %get3A_91 : vector<1x150xf32> to vector<12800x150xf32>
    %add3A_93 = arith.addf %dot_general3A_88, %add3A_92 : vector<12800x150xf32>
    %max3A_94 = arith.constant 0.000000e+00 : f32
    %max3A_95 = vector.broadcast %max3A_94 : f32 to vector<12800x150xf32>
    %max3A_96 = arith.maximumf %add3A_93, %max3A_95 : vector<12800x150xf32>
    %get3A_97 = arith.constant 0 : index
    %get3A_98 = arith.constant 0 : index
    %get3A_99 = vector.load %arg10[%get3A_97, %get3A_98] : memref<150x150xf32, #tpu.memory_space<vmem>>, vector<150x150xf32>
    %dot_general3A_100 = arith.constant dense<0.000000e+00> : vector<12800x150xf32>
    %dot_general3A_101 = tpu.matmul %max3A_96, %get3A_99, %dot_general3A_100 {dimension_numbers = #tpu.dot_dimension_numbers<[1], [0], [0], [1], [0, 0, 1, 1], [], []>, transpose_lhs_hint = false} : vector<12800x150xf32>, vector<150x150xf32>, vector<12800x150xf32> -> vector<12800x150xf32>
    %get3A_102 = arith.constant 0 : index
    %get3A_103 = arith.constant 0 : index
    %get3A_104 = vector.load %arg11[%get3A_102, %get3A_103] : memref<1x150xf32, #tpu.memory_space<vmem>>, vector<1x150xf32>
    %add3A_105 = vector.broadcast %get3A_104 : vector<1x150xf32> to vector<12800x150xf32>
    %add3A_106 = arith.addf %dot_general3A_101, %add3A_105 : vector<12800x150xf32>
    %max3A_107 = arith.constant 0.000000e+00 : f32
    %max3A_108 = vector.broadcast %max3A_107 : f32 to vector<12800x150xf32>
    %max3A_109 = arith.maximumf %add3A_106, %max3A_108 : vector<12800x150xf32>
    %get3A_110 = arith.constant 0 : index
    %get3A_111 = arith.constant 0 : index
    %get3A_112 = vector.load %arg12[%get3A_110, %get3A_111] : memref<150x150xf32, #tpu.memory_space<vmem>>, vector<150x150xf32>
    %dot_general3A_113 = arith.constant dense<0.000000e+00> : vector<12800x150xf32>
    %dot_general3A_114 = tpu.matmul %max3A_109, %get3A_112, %dot_general3A_113 {dimension_numbers = #tpu.dot_dimension_numbers<[1], [0], [0], [1], [0, 0, 1, 1], [], []>, transpose_lhs_hint = false} : vector<12800x150xf32>, vector<150x150xf32>, vector<12800x150xf32> -> vector<12800x150xf32>
    %get3A_115 = arith.constant 0 : index
    %get3A_116 = arith.constant 0 : index
    %get3A_117 = vector.load %arg13[%get3A_115, %get3A_116] : memref<1x150xf32, #tpu.memory_space<vmem>>, vector<1x150xf32>
    %add3A_118 = vector.broadcast %get3A_117 : vector<1x150xf32> to vector<12800x150xf32>
    %add3A_119 = arith.addf %dot_general3A_114, %add3A_118 : vector<12800x150xf32>
    %max3A_120 = arith.constant 0.000000e+00 : f32
    %max3A_121 = vector.broadcast %max3A_120 : f32 to vector<12800x150xf32>
    %max3A_122 = arith.maximumf %add3A_119, %max3A_121 : vector<12800x150xf32>
    %get3A_123 = arith.constant 0 : index
    %get3A_124 = arith.constant 0 : index
    %get3A_125 = vector.load %arg14[%get3A_123, %get3A_124] : memref<150x64xf32, #tpu.memory_space<vmem>>, vector<150x64xf32>
    %dot_general3A_126 = arith.constant dense<0.000000e+00> : vector<12800x64xf32>
    %dot_general3A_127 = tpu.matmul %max3A_122, %get3A_125, %dot_general3A_126 {dimension_numbers = #tpu.dot_dimension_numbers<[1], [0], [0], [1], [0, 0, 1, 1], [], []>, transpose_lhs_hint = false} : vector<12800x150xf32>, vector<150x64xf32>, vector<12800x64xf32> -> vector<12800x64xf32>
    %get3A_128 = arith.constant 0 : index
    %get3A_129 = arith.constant 0 : index
    %get3A_130 = vector.load %arg15[%get3A_128, %get3A_129] : memref<1x64xf32, #tpu.memory_space<vmem>>, vector<1x64xf32>
    %add3A_131 = vector.broadcast %get3A_130 : vector<1x64xf32> to vector<12800x64xf32>
    %add3A_132 = arith.addf %dot_general3A_127, %add3A_131 : vector<12800x64xf32>
    %slice3A_133 = vector.extract_strided_slice %add3A_132 {offsets = [0, 0], sizes = [6400, 64], strides = [1, 1]} : vector<12800x64xf32> to vector<6400x64xf32>
    %slice3A_134 = vector.extract_strided_slice %add3A_132 {offsets = [6400, 0], sizes = [6400, 64], strides = [1, 1]} : vector<12800x64xf32> to vector<6400x64xf32>
    %concatenate3A_135 = tpu.concatenate %slice3A_133, %slice3A_134 in 1 : vector<6400x64xf32>, vector<6400x64xf32> -> vector<6400x128xf32>
    %swap3A = arith.constant 0 : index
    %swap3A_136 = arith.constant 0 : index
    %swap3A_137 = vector.load %arg16[%swap3A, %swap3A_136] : memref<6400x128xf32, #tpu.memory_space<vmem>>, vector<6400x128xf32>
    tpu.vector_store %arg16[%swap3A, %swap3A_136], %concatenate3A_135 {strides = array<i32>} : memref<6400x128xf32, #tpu.memory_space<vmem>>, vector<6400x128xf32>,
    return
  }
  func.func @transform_0(%arg0: i32) -> (i32, i32) {
    %c0_i32 = arith.constant 0 : i32
    %c0_i32_0 = arith.constant 0 : i32
    return %arg0, %c0_i32 : i32, i32
  }
  func.func @transform_1(%arg0: i32) -> (i32, i32) {
    %c0_i32 = arith.constant 0 : i32
    %c0_i32_0 = arith.constant 0 : i32
    return %arg0, %c0_i32 : i32, i32
  }
  func.func @transform_2(%arg0: i32) -> (i32, i32) {
    %c0_i32 = arith.constant 0 : i32
    %c0_i32_0 = arith.constant 0 : i32
    %c0_i32_1 = arith.constant 0 : i32
    return %c0_i32, %c0_i32_0 : i32, i32
  }
  func.func @transform_3(%arg0: i32) -> (i32, i32) {
    %c0_i32 = arith.constant 0 : i32
    %c0_i32_0 = arith.constant 0 : i32
    %c0_i32_1 = arith.constant 0 : i32
    return %c0_i32, %c0_i32_0 : i32, i32
  }
  func.func @transform_4(%arg0: i32) -> (i32, i32) {
    %c0_i32 = arith.constant 0 : i32
    %c0_i32_0 = arith.constant 0 : i32
    %c0_i32_1 = arith.constant 0 : i32
    return %c0_i32, %c0_i32_0 : i32, i32
  }
  func.func @transform_5(%arg0: i32) -> (i32, i32) {
    %c0_i32 = arith.constant 0 : i32
    %c0_i32_0 = arith.constant 0 : i32
    %c0_i32_1 = arith.constant 0 : i32
    return %c0_i32, %c0_i32_0 : i32, i32
  }
  func.func @transform_6(%arg0: i32) -> (i32, i32) {
    %c0_i32 = arith.constant 0 : i32
    %c0_i32_0 = arith.constant 0 : i32
    %c0_i32_1 = arith.constant 0 : i32
    return %c0_i32, %c0_i32_0 : i32, i32
  }
  func.func @transform_7(%arg0: i32) -> (i32, i32) {
    %c0_i32 = arith.constant 0 : i32
    %c0_i32_0 = arith.constant 0 : i32
    %c0_i32_1 = arith.constant 0 : i32
    return %c0_i32, %c0_i32_0 : i32, i32
  }
  func.func @transform_8(%arg0: i32) -> (i32, i32) {
    %c0_i32 = arith.constant 0 : i32
    %c0_i32_0 = arith.constant 0 : i32
    %c0_i32_1 = arith.constant 0 : i32
    return %c0_i32, %c0_i32_0 : i32, i32
  }
  func.func @transform_9(%arg0: i32) -> (i32, i32) {
    %c0_i32 = arith.constant 0 : i32
    %c0_i32_0 = arith.constant 0 : i32
    %c0_i32_1 = arith.constant 0 : i32
    return %c0_i32, %c0_i32_0 : i32, i32
  }
  func.func @transform_10(%arg0: i32) -> (i32, i32) {
    %c0_i32 = arith.constant 0 : i32
    %c0_i32_0 = arith.constant 0 : i32
    %c0_i32_1 = arith.constant 0 : i32
    return %c0_i32, %c0_i32_0 : i32, i32
  }
  func.func @transform_11(%arg0: i32) -> (i32, i32) {
    %c0_i32 = arith.constant 0 : i32
    %c0_i32_0 = arith.constant 0 : i32
    %c0_i32_1 = arith.constant 0 : i32
    return %c0_i32, %c0_i32_0 : i32, i32
  }
  func.func @transform_12(%arg0: i32) -> (i32, i32) {
    %c0_i32 = arith.constant 0 : i32
    %c0_i32_0 = arith.constant 0 : i32
    %c0_i32_1 = arith.constant 0 : i32
    return %c0_i32, %c0_i32_0 : i32, i32
  }
  func.func @transform_13(%arg0: i32) -> (i32, i32) {
    %c0_i32 = arith.constant 0 : i32
    %c0_i32_0 = arith.constant 0 : i32
    %c0_i32_1 = arith.constant 0 : i32
    return %c0_i32, %c0_i32_0 : i32, i32
  }
  func.func @transform_14(%arg0: i32) -> (i32, i32) {
    %c0_i32 = arith.constant 0 : i32
    %c0_i32_0 = arith.constant 0 : i32
    %c0_i32_1 = arith.constant 0 : i32
    return %c0_i32, %c0_i32_0 : i32, i32
  }
  func.func @transform_15(%arg0: i32) -> (i32, i32) {
    %c0_i32 = arith.constant 0 : i32
    %c0_i32_0 = arith.constant 0 : i32
    return %arg0, %c0_i32 : i32, i32
  }
}

module attributes {stable_mosaic.version = 14 : i64} {
  func.func @_node_mlp_body(%arg0: memref<5000x10xf32, #tpu.memory_space<vmem>>, %arg1: memref<10000x128xf32, #tpu.memory_space<vmem>>, %arg2: memref<10x200xf32, #tpu.memory_space<vmem>>, %arg3: memref<128x200xf32, #tpu.memory_space<vmem>>, %arg4: memref<1x200xf32, #tpu.memory_space<vmem>>, %arg5: memref<200x200xf32, #tpu.memory_space<vmem>>, %arg6: memref<1x200xf32, #tpu.memory_space<vmem>>, %arg7: memref<200x4xf32, #tpu.memory_space<vmem>>, %arg8: memref<1x4xf32, #tpu.memory_space<vmem>>, %arg9: memref<5000x4xf32, #tpu.memory_space<vmem>>) attributes {dimension_semantics = [], scalar_prefetch = 0 : i64, scratch_operands = 0 : i64, tpu.core_type = #tpu.core_type<tc>} {
    %get3A = arith.constant 0 : index
    %get3A_0 = arith.constant 0 : index
    %get3A_1 = vector.load %arg1[%get3A, %get3A_0] : memref<10000x128xf32, #tpu.memory_space<vmem>>, vector<5000x128xf32>
    %get3A_2 = arith.constant 5000 : index
    %get3A_3 = arith.constant 0 : index
    %get3A_4 = vector.load %arg1[%get3A_2, %get3A_3] : memref<10000x128xf32, #tpu.memory_space<vmem>>, vector<5000x128xf32>
    %add3A = arith.addf %get3A_1, %get3A_4 : vector<5000x128xf32>
    %get3A_5 = arith.constant 0 : index
    %get3A_6 = arith.constant 0 : index
    %get3A_7 = vector.load %arg0[%get3A_5, %get3A_6] : memref<5000x10xf32, #tpu.memory_space<vmem>>, vector<5000x10xf32>
    %get3A_8 = arith.constant 0 : index
    %get3A_9 = arith.constant 0 : index
    %get3A_10 = vector.load %arg2[%get3A_8, %get3A_9] : memref<10x200xf32, #tpu.memory_space<vmem>>, vector<10x200xf32>
    %dot_general3A = arith.constant dense<0.000000e+00> : vector<5000x200xf32>
    %dot_general3A_11 = tpu.matmul %get3A_7, %get3A_10, %dot_general3A {dimension_numbers = #tpu.dot_dimension_numbers<[1], [0], [0], [1], [0, 0, 1, 1], [], []>, transpose_lhs_hint = false} : vector<5000x10xf32>, vector<10x200xf32>, vector<5000x200xf32> -> vector<5000x200xf32>
    %get3A_12 = arith.constant 0 : index
    %get3A_13 = arith.constant 0 : index
    %get3A_14 = vector.load %arg3[%get3A_12, %get3A_13] : memref<128x200xf32, #tpu.memory_space<vmem>>, vector<128x200xf32>
    %dot_general3A_15 = arith.constant dense<0.000000e+00> : vector<5000x200xf32>
    %dot_general3A_16 = tpu.matmul %add3A, %get3A_14, %dot_general3A_15 {dimension_numbers = #tpu.dot_dimension_numbers<[1], [0], [0], [1], [0, 0, 1, 1], [], []>, transpose_lhs_hint = false} : vector<5000x128xf32>, vector<128x200xf32>, vector<5000x200xf32> -> vector<5000x200xf32>
    %add3A_17 = arith.addf %dot_general3A_11, %dot_general3A_16 : vector<5000x200xf32>
    %get3A_18 = arith.constant 0 : index
    %get3A_19 = arith.constant 0 : index
    %get3A_20 = vector.load %arg4[%get3A_18, %get3A_19] : memref<1x200xf32, #tpu.memory_space<vmem>>, vector<1x200xf32>
    %add3A_21 = vector.broadcast %get3A_20 : vector<1x200xf32> to vector<5000x200xf32>
    %add3A_22 = arith.addf %add3A_17, %add3A_21 : vector<5000x200xf32>
    %max3A = arith.constant 0.000000e+00 : f32
    %max3A_23 = vector.broadcast %max3A : f32 to vector<5000x200xf32>
    %max3A_24 = arith.maximumf %add3A_22, %max3A_23 : vector<5000x200xf32>
    %get3A_25 = arith.constant 0 : index
    %get3A_26 = arith.constant 0 : index
    %get3A_27 = vector.load %arg5[%get3A_25, %get3A_26] : memref<200x200xf32, #tpu.memory_space<vmem>>, vector<200x200xf32>
    %dot_general3A_28 = arith.constant dense<0.000000e+00> : vector<5000x200xf32>
    %dot_general3A_29 = tpu.matmul %max3A_24, %get3A_27, %dot_general3A_28 {dimension_numbers = #tpu.dot_dimension_numbers<[1], [0], [0], [1], [0, 0, 1, 1], [], []>, transpose_lhs_hint = false} : vector<5000x200xf32>, vector<200x200xf32>, vector<5000x200xf32> -> vector<5000x200xf32>
    %get3A_30 = arith.constant 0 : index
    %get3A_31 = arith.constant 0 : index
    %get3A_32 = vector.load %arg6[%get3A_30, %get3A_31] : memref<1x200xf32, #tpu.memory_space<vmem>>, vector<1x200xf32>
    %add3A_33 = vector.broadcast %get3A_32 : vector<1x200xf32> to vector<5000x200xf32>
    %add3A_34 = arith.addf %dot_general3A_29, %add3A_33 : vector<5000x200xf32>
    %max3A_35 = arith.constant 0.000000e+00 : f32
    %max3A_36 = vector.broadcast %max3A_35 : f32 to vector<5000x200xf32>
    %max3A_37 = arith.maximumf %add3A_34, %max3A_36 : vector<5000x200xf32>
    %get3A_38 = arith.constant 0 : index
    %get3A_39 = arith.constant 0 : index
    %get3A_40 = vector.load %arg7[%get3A_38, %get3A_39] : memref<200x4xf32, #tpu.memory_space<vmem>>, vector<200x4xf32>
    %dot_general3A_41 = arith.constant dense<0.000000e+00> : vector<5000x4xf32>
    %dot_general3A_42 = tpu.matmul %max3A_37, %get3A_40, %dot_general3A_41 {dimension_numbers = #tpu.dot_dimension_numbers<[1], [0], [0], [1], [0, 0, 1, 1], [], []>, transpose_lhs_hint = false} : vector<5000x200xf32>, vector<200x4xf32>, vector<5000x4xf32> -> vector<5000x4xf32>
    %get3A_43 = arith.constant 0 : index
    %get3A_44 = arith.constant 0 : index
    %get3A_45 = vector.load %arg8[%get3A_43, %get3A_44] : memref<1x4xf32, #tpu.memory_space<vmem>>, vector<1x4xf32>
    %add3A_46 = vector.broadcast %get3A_45 : vector<1x4xf32> to vector<5000x4xf32>
    %add3A_47 = arith.addf %dot_general3A_42, %add3A_46 : vector<5000x4xf32>
    %swap3A = arith.constant 0 : index
    %swap3A_48 = arith.constant 0 : index
    %swap3A_49 = vector.load %arg9[%swap3A, %swap3A_48] : memref<5000x4xf32, #tpu.memory_space<vmem>>, vector<5000x4xf32>
    tpu.vector_store %arg9[%swap3A, %swap3A_48], %add3A_47 {strides = array<i32>} : memref<5000x4xf32, #tpu.memory_space<vmem>>, vector<5000x4xf32>,
    return
  }
}

</mosaic_0001>

<sc_bundles>
// kernel: gather_offload_async_start
scs
__scs_entry_jumppad:
0x0: {  	(pc) =	sbr.rel $0x88, $3  }
0x1: {  	(tag) =	ssettag $0x0;
	lr =	simm.s32 $0x1  }
0x2: {  	[smem:$0x3F8D] =	sst lr;
	_ =	strace $0xD0000000  }
0x3: {  	_ = 	snop  }
0x4: {  	_ = 	snop  }
0x5: {  	_ = 	snop  }
0x6: {  	_ = 	snop  }
0x7: {  	_ = 	snop  }
__scs_overlays_trampoline_lowered:
0x8: {  	[smem:$0x3F9C] =	sst s0  }
0x9: {  	[smem:$0x3F9D] =	sst s1  }
0xa: {  	[smem:$0x3F9E] =	sst s2  }
0xb: {  	[smem:$0x3F9F] =	sst s3  }
0xc: {  	[smem:$0x3FA0] =	sst s4  }
0xd: {  	[smem:$0x3FA1] =	sst s5  }
0xe: {  	[smem:$0x3FA2] =	sst s6  }
0xf: {  	[smem:$0x3FA3] =	sst s7  }
0x10: {  	[smem:$0x3FA4] =	sst s8  }
0x11: {  	[smem:$0x3FA5] =	sst s9;
	s0 =	simm.s32 @!p0 $0x0  }
0x12: {  	s1 =	sld [smem:$0x3F8B];
	s0 =	simm.s32 @p0 $0x1  }
0x13: {  	[smem:$0x3FA6] =	sst s0;
	s0 =	simm.s32 @!p1 $0x0  }
0x14: {  	s2 =	sld [smem:$0x3F8A];
	s0 =	simm.s32 @p1 $0x1  }
0x15: {  	[smem:$0x3FA7] =	sst s0;
	s0 =	simm.s32 @!p2 $0x0  }
0x16: {  	s3 =	sld [smem:$0x3FDB];
	s0 =	simm.s32 @p2 $0x1  }
0x17: {  	s4 =	simm.s32 $0x1BF5;
	[smem:$0x3FA9] =	sst s0  }
0x18: {  	s0 =	sld [smem:$0x3F8C];
	_ =	swait.ge [sflag:s4], $0x0  }
0x19: {  	s7 =	sld [smem:$0x3F8D]  }
0x1a: {  	s8 =	sadd.s32 $0xFFFFE003, lr  }
0x1b: {  	s9 =	sadd.s32 $0xFFFFFEF7, lr;
	s5 =	simm.s32 $0xFFFFFFFF;
	p2 =	slt.u32 s8, $0xFFFFF086  }
0x1c: {  	p1 =	slt.u32 s9, $0xF7A;
	s5 =	simm.s32 @!p2 $0x0  }
0x1d: {  	s5 =	simm.s32 @p1 $0x1;
	p0 =	seq.s32 s7, s2  }
0x1e: {  	s7 =	smul.u32 @!p0 $0xF7A, s2;
	p2 =	seq.s32 @!p0 s5, $0x0  }
0x1f: {  	s9 =	smul.u32 $0xF7A, s1;
	s8 =	simm.s32 @!p0 $0x1BF5;
	p2 =	por !p2, p0  }
0x20: {  	[sflag:s8] =	ssyncset.s32 @!p0 $0xFFFFF086;
	s6 =	sadd.s32 @!p0 s3, s7;
	s7 =	simm.s32 @!p0 $0x108  }
0x21: {  	s3 =	sadd.s32 s3, s9;
	s6 =	sadd.s32 @!p0 $0x88, s6;
	s7 =	simm.s32 @p2 $0x1082  }
0x22: {  	[simem:s7], [sflag:s8] =	dma.local @!p0 [hbm:s6], $0xF7A  }
0x23: {  	s9 =	sor.u32 $0xD0000000, s2;
	s6 =	simm.s32 $0x108;
	_ =	swait.ge @!p0 [sflag:s8], $0x0  }
0x24: {  	s3 =	sadd.s32 $0x88, s3;
	s6 =	simm.s32 @!p1 $0x1082;
	[sflag:s4] =	ssyncset.s32 $0xFFFFF086  }
0x25: {  	[simem:s6], [sflag:s4] =	dma.local [hbm:s3], $0xF7A  }
0x26: {  	[smem:$0x3F8D] =	sst s1;
	(tag) =	ssettag s2;
	_ =	strace s9  }
0x27: {  	s1 =	sld [smem:$0x3F9D]  }
0x28: {  	s2 =	sld [smem:$0x3F9E]  }
0x29: {  	s4 =	sld [smem:$0x3FA0]  }
0x2a: {  	p0 =	seq.s32 s5, $0x0;
	s5 =	sld [smem:$0x3FA1]  }
0x2b: {  	s6 =	sld [smem:$0x3FA2]  }
0x2c: {  	s7 =	sld [smem:$0x3FA3]  }
0x2d: {  	s3 =	simm.s32 $0x108;
	s8 =	sld [smem:$0x3FA4]  }
0x2e: {  	s3 =	simm.s32 @!p0 $0x1082;
	s9 =	sld [smem:$0x3FA5]  }
0x2f: {  	lr =	sadd.s32 s0, s3;
	s0 =	sld [smem:$0x3F9C]  }
0x30: {  	s3 =	sld [smem:$0x3F9F]  }
0x31: {  	[smem:$0x3FA8] =	sst s10  }
0x32: {  	s10 =	sld [smem:$0x3FA6];
	_ =	sdelay $0x3  }
0x33: {  	p0 =	seq.s32 s10, $0x1;
	s10 =	sld [smem:$0x3FA8];
	_ =	sdelay $0x3  }
0x34: {  	[smem:$0x3FA8] =	sst s10  }
0x35: {  	s10 =	sld [smem:$0x3FA7];
	_ =	sdelay $0x3  }
0x36: {  	p1 =	seq.s32 s10, $0x1;
	s10 =	sld [smem:$0x3FA8];
	_ =	sdelay $0x3  }
0x37: {  	[smem:$0x3FA8] =	sst s10  }
0x38: {  	s10 =	sld [smem:$0x3FA9]  }
0x39: {  	_ = 	snop;
	(pc) =	sbr.ind lr, $3  }
0x3a: {  	_ = 	snop  }
0x3b: {  	_ = 	snop  }
0x3c: {  	p2 =	seq.s32 s10, $0x1;
	s10 =	sld [smem:$0x3FA8]  }
0x3d: {  	_ =	shalt  }
0x3e: {  	_ =	shalt  }
0x3f: {  	_ =	shalt  }
0x40: {  	_ =	shalt  }
0x41: {  	_ =	shalt  }
0x42: {  	_ =	shalt  }
0x43: {  	_ =	shalt  }
0x44: {  	_ =	shalt  }
0x45: {  	_ =	shalt  }
0x46: {  	_ =	shalt  }
0x47: {  	_ =	shalt  }
0x48: {  	_ =	shalt  }
0x49: {  	_ =	shalt  }
0x4a: {  	_ =	shalt  }
0x4b: {  	_ =	shalt  }
0x4c: {  	_ =	shalt  }
0x4d: {  	_ =	shalt  }
0x4e: {  	_ =	shalt  }
0x4f: {  	_ =	shalt  }
0x50: {  	_ =	shalt  }
0x51: {  	_ =	shalt  }
0x52: {  	_ =	shalt  }
0x53: {  	_ =	shalt  }
0x54: {  	_ =	shalt  }
0x55: {  	_ =	shalt  }
0x56: {  	_ =	shalt  }
0x57: {  	_ =	shalt  }
0x58: {  	_ =	shalt  }
0x59: {  	_ =	shalt  }
0x5a: {  	_ =	shalt  }
0x5b: {  	_ =	shalt  }
0x5c: {  	_ =	shalt  }
0x5d: {  	_ =	shalt  }
0x5e: {  	_ =	shalt  }
0x5f: {  	_ =	shalt  }
0x60: {  	_ =	shalt  }
0x61: {  	_ =	shalt  }
0x62: {  	_ =	shalt  }
0x63: {  	_ =	shalt  }
0x64: {  	_ =	shalt  }
0x65: {  	_ =	shalt  }
0x66: {  	_ =	shalt  }
0x67: {  	_ =	shalt  }
0x68: {  	_ =	shalt  }
0x69: {  	_ =	shalt  }
0x6a: {  	_ =	shalt  }
0x6b: {  	_ =	shalt  }
0x6c: {  	_ =	shalt  }
0x6d: {  	_ =	shalt  }
0x6e: {  	_ =	shalt  }
0x6f: {  	_ =	shalt  }
0x70: {  	_ =	shalt  }
0x71: {  	_ =	shalt  }
0x72: {  	_ =	shalt  }
0x73: {  	_ =	shalt  }
0x74: {  	_ =	shalt  }
0x75: {  	_ =	shalt  }
0x76: {  	_ =	shalt  }
0x77: {  	_ =	shalt  }
0x78: {  	_ =	shalt  }
0x79: {  	_ =	shalt  }
0x7a: {  	_ =	shalt  }
0x7b: {  	_ =	shalt  }
0x7c: {  	_ =	shalt  }
0x7d: {  	_ =	shalt  }
0x7e: {  	_ =	shalt  }
0x7f: {  	_ =	shalt  }
0x80: {  	_ =	shalt  }
0x81: {  	_ =	shalt  }
0x82: {  	_ =	shalt  }
0x83: {  	_ =	shalt  }
0x84: {  	_ =	shalt  }
0x85: {  	_ =	shalt  }
0x86: {  	_ =	shalt  }
0x87: {  	_ =	shalt  }
.Lfunc_end0:
.L_simem_size_0:
called_computation_lowered:
.L_overlay_start_0:
0x88: {  	s2 =	sld [smem:$0x3FD9]  }
0x89: {  	s3 =	sld [smem:$0x3FFE];
	_ =	sdelay $0x1  }
0x8a: {  	s1 =	srdreg.scid  }
0x8b: {  	s0 =	sand.u32 $0x1, s1  }
0x8c: {  	s17 =	sshll.u32 s0, $0xA;
	s2 =	sadd.s32 s3, s2  }
0x8d: {  	s2 =	sadd.s32 s2, s17  }
0x8e: {  	[smem:$0x3FB4] =	sst s2  }
0x8f: {  	_ = 	snop  }
0x90: {  	s18 =	sld [smem:$0x3FD0];
	(tm) =	ssettm $0x1  }
0x91: {  	s19 =	sld [smem:$0x3FFB];
	_ =	sdelay $0x3  }
0x92: {  	_ =	strace s19  }
0x93: {  	s2 =	sld [smem:$0x3FFC];
	_ =	sdelay $0x3  }
0x94: {  	_ =	strace s2  }
0x95: {  	s2 =	sld [smem:$0x3FFD];
	_ =	sdelay $0x3  }
0x96: {  	_ =	strace s2  }
0x97: {  	_ =	strace $0x8FFFFFFF  }
0x98: {  	s20 =	sld [smem:$0x3FDB];
	_ =	sdelay $0x1  }
0x99: {  	s4 =	simm.s32 $_scs_section_size  }
0x9a: {  	s5 =	simm.s32 $_size__tile_overlayer_lowered;
	s6 =	simm.s32 $_tile_overlayer_lowered  }
0x9b: {  	s7 =	simm.s32 $0x1BFF;
	s21 =	sshll.u32 s6, $0x1;
	s4 =	sadd.s32 s4, s20  }
0x9c: {  	s22 =	simm.s32 $0x0;
	s5 =	sshll.u32 s5, $0x1;
	s6 =	sadd.s32 s21, s4  }
0x9d: {  	[timem:s22], [sflag:s7] =	dma.local [hbm:s6], s5  }
0x9e: {  	_ =	swait.ge [sflag:s7], s5  }
0x9f: {  	s5 =	ssub.s32 $0x0, s5;
	[sflag:s7] =	ssyncset.done $0x0  }
0xa0: {  	[sflag:s7] =	ssyncadd.s32 s5;
	_ =	sdelay $0x1  }
0xa1: {  	s23 =	simm.s32 $0x1B8B  }
0xa2: {  	_ =	swait.ge [sflag:s23], $0x1  }
0xa3: {  	[sflag:s23] =	ssyncset.done $0x0  }
0xa4: {  	[sflag:s23] =	ssyncadd.s32 $0xFFFFFFFF  }
0xa5: {  	s5 =	sld [smem:$0x0]  }
0xa6: {  	s6 =	sand.u32 $0xFFFFFFFE, s1  }
0xa7: {  	p0 =	sne.s32 s1, s6  }
0xa8: {  	s6 =	sshll.u32 @p0 s6, $0xE  }
0xa9: {  	s6 =	sadd.s32 @p0 $0x11B8D, s6;
	s7 =	sshll.u32 @p0 s5, $0x11  }
0xaa: {  	s6 =	sor.u32 @p0 s7, s6  }
0xab: {  	[sflag:s6] =	ssyncadd.remote.s32 @p0 $0x1;
	_ =	sdelay $0x1  }
0xac: {  	s6 =	simm.s32 @p0 $0x1B8D  }
0xad: {  	_ =	swait.eq @p0 [sflag:s6], $0x1  }
0xae: {  	[sflag:s6] =	ssyncadd.s32 @p0 $0xFFFFFFFF  }
0xaf: {  	s7 =	sshll.u32 @!p0 s1, $0xE  }
0xb0: {  	s7 =	sor.u32 @!p0 $0x4000, s7;
	s6 =	simm.s32 @!p0 $0x1B8D  }
0xb1: {  	s5 =	sshll.u32 @!p0 s5, $0x11;
	s7 =	sadd.s32 @!p0 $0x11B8D, s7;
	_ =	swait.eq @!p0 [sflag:s6], $0x1  }
0xb2: {  	s5 =	sor.u32 @!p0 s5, s7;
	[sflag:s6] =	ssyncadd.s32 @!p0 $0xFFFFFFFF  }
0xb3: {  	s25 =	simm.s32 $0x1B8E;
	s24 =	sld [smem:$0x3FFE];
	[sflag:s5] =	ssyncadd.remote.s32 @!p0 $0x1  }
0xb4: {  	s26 =	simm.s32 $execute0_lowered;
	[smem:$0x3FD2] =	sst s25  }
0xb5: {  	s6 =	sshll.u32 s26, $0x1;
	_ =	strace $0x80000049;
	[dreg:$0x1] =	wrdreg $0xFFFFFFFF  }
0xb6: {  	s28 =	simm.s32 $_size_execute0_lowered;
	s4 =	sadd.s32 s4, s6;
	[dreg:$0x0] =	wrdreg $0x0  }
0xb7: {  	s6 =	sshll.u32 s28, $0x1;
	[dreg:$0x2] =	wrdreg s4  }
0xb8: {  	[dreg:$0x3] =	wrdreg s6  }
0xb9: {  	[dreg:$0x4] =	wrdreg $0xC0  }
0xba: {  	_ =	task [dreg:s22], $0x5FFFF  }
0xbb: {  	[dreg:$0x1] =	wrdreg $0xFFFFFFFF  }
0xbc: {  	[dreg:$0x0] =	wrdreg $0x60  }
0xbd: {  	[dreg:$0x2] =	wrdreg s24  }
0xbe: {  	[dreg:$0x3] =	wrdreg s18  }
0xbf: {  	[dreg:$0x4] =	wrdreg $0x9  }
0xc0: {  	_ =	task.clear_ibuf [dreg:s22], $0x5FFFF;
	_ =	strace $0x90000049  }
0xc1: {  	s29 =	simm.s32 $0x9;
	_ =	strace $0x8000004B  }
0xc2: {  	_ =	swait.ge [sflag:s29], $0x1  }
0xc3: {  	[sflag:s29] =	ssyncadd.s32 $0xFFFFFFFF  }
0xc4: {  	_ =	strace $0x9000004B  }
0xc5: {  	_ =	sfence  }
0xc6: {  	s30 =	sld [smem:$0x0];
	_ =	sdelay $0x2  }
0xc7: {  	s31 =	sshll.u32 s1, $0xD;
	s1 =	sshrl.u32 s1, $0x2  }
0xc8: {  	s4 =	sand.u32 $0x4000, s31;
	s1 =	sadd.s32 s1, s30  }
0xc9: {  	s0 =	sor.u32 s4, s0;
	s1 =	sshll.u32 s1, $0x11  }
0xca: {  	s0 =	sor.u32 s1, s0  }
0xcb: {  	s0 =	sadd.s32 $0x8F2B, s0  }
0xcc: {  	[sflag:s0] =	ssyncadd.remote.s32 $0x1  }
0xcd: {  	_ =	sfence.sel $0xFFFF  }
0xce: {  	[dreg:$0x0] =	wrdreg $0xFFFFFFFF;
	(pc) =	sbr.abs _section_cstart, $3  }
0xcf: {  	[dreg:$0x1] =	wrdreg $0xFFFFFFFF  }
0xd0: {  	_ =	task.clear_ibuf [dreg:s22], $0x2FFFF;
	_ =	strace $0x9FFFFFFF  }
0xd1: {  	(tm) =	ssettm $0x7FFFFFFF  }
tec
execute0_lowered:
.L_overlay_start_1:
0x0: {  	(tag) =	ssettag $0x1  }
0x1: {  	s0 =	srdreg.scid  }
0x2: {  	s1 =	sshll.u32 s0, $0x4  }
0x3: {  	s0 =	stileid.u32;
	s1 =	sand.u32 $0x10, s1  }
0x4: {  	s2 =	sor.u32 s0, s1  }
0x5: {  	s1 =	smin.u32 s2, $0x8  }
0x6: {  	s1 =	sadd.s32 s2, s1  }
0x7: {  	p0 =	slt.u32 s2, $0x8;
	s2 =	simm.s32 $0x280;
	s1 =	smul.u32 $0x140, s1  }
0x8: {  	s2 =	simm.s32 @!p0 $0x140  }
0x9: {  	s2 =	sadd.s32 s2, s1  }
0xa: {  	s3 =	smin.u32 s2, $0x3200  }
0xb: {  	s7 =	ssub.s32 s3, s1  }
0xc: {  	p0 =	sgt.s32 s7, $0x0  }
0xd: {  	s7 =	simm.s32 @!p0 $0x0  }
0xe: {  	s9 =	rddreg [dreg:$0x0];
	s31 =	smul.u32 $0xCCCD, s7  }
0xf: {  	s4 =	rddreg [dreg:$0x1];
	s6 =	simm.s32 $0x1  }
0x10: {  	s11 =	simm.s32 $0x3;
	s13 =	simm.s32 $0x0;
	s8 =	sshrl.u32 s31, $0x18  }
0x11: {  	s12 =	simm.s32 $0x0;
	s5 =	sadd.s32 $0x153A00, s9;
	s10 =	smul.u32 $0x140, s8  }
.Ltmp0:
0x12: {  	s9 =	sadd.s32 $0x185C00, s9;
	s2 =	rddreg [dreg:$0x2];
	(pc) =	sbr.rel .LBB2_1-.Ltmp0, $4  }
0x13: {  	_ =	strace $0x8000004A;
	p0 =	sne.s32 s7, s10;
	s10 =	simm.s32 $0x1  }
0x14: {  	[sflag:s6] =	ssyncpa.u1 $0x0;
	s7 =	simm.s32 $0x2;
	s10 =	simm.s32 @!p0 $0x0  }
0x15: {  	[sflag:s7] =	ssyncpa.u1 $0x0;
	p0 =	por $0x0, $0x0;
	s8 =	sadd.s32 s8, s10  }
0x16: {  	vm0 =	vmmov $0xff;
	vm1 =	vcmask $0x3F20;
	[sflag:s11] =	ssyncpa.u1 $0x0;
	s11 =	smov.u32 s1;
	s10 =	sadd.s32 $0x1, s8  }
.LBB2_6:
0x17: {  	[hbm:s17] =	stream.linear.scatter [tilespmem:s14], [sflag:$0x3], $0x400, $0x38;
	[tilespmem:$0x14280] =	vst v63  }
.LBB2_7:
0x18: {  	s13 =	sadd.s32 $0x140, s11  }
0x19: {  	s15 =	smov.u32 s1;
	p2 =	slt.s32 s13, s3  }
0x1a: {  	s15 =	smov.u32 @p2 s13;
	p2 =	sne.s32 s12, s10  }
.Ltmp1:
0x1b: {  	p1 =	slt.u32 s12, $0x2;
	(pc) =	sbr.rel @!p2 .LBB2_8-.Ltmp1, $4  }
0x1c: {  	s14 =	simm.s32 @!p1 $0x3  }
0x1d: {  	s16 =	sadd.s32 $0x1, s12;
	_ =	swait.ge @!p1 [sflag:s14], $0xA000  }
0x1e: {  	p0 =	por !p0, !p0;
	s13 =	smov.u32 s11;
	[sflag:s14] =	ssyncset.done @!p1 $0x0  }
0x1f: {  	s12 =	smov.u32 s16;
	s11 =	smov.u32 s15;
	[sflag:s14] =	ssyncadd.s32 @!p1 $0xFFFF6000  }
.LBB2_1:
0x20: {  	p1 =	sge.u32 s12, s8  }
0x21: {  	s14 =	sxor.u32 @!p1 $0xFFFFFFFF, s12  }
0x22: {  	s14 =	sand.u32 @!p1 $0x1, s14  }
0x23: {  	s14 =	smul.u32 @!p1 $0x500, s14  }
0x24: {  	s31 =	sadd.s32 $0xFFFFFFFF, s12;
	s15 =	sshrl.u32 @!p1 s11, $0x3  }
0x25: {  	s16 =	sand.u32 @!p1 $0x7, s11;
	s15 =	sadd.s32 @!p1 s4, s15;
	s14 =	sshrl.u32 @!p1 s14, $0x2  }
0x26: {  	[tilespmem:s14], [sflag:$0x2] =	stream.linear.gather @!p1 [hbm4b:s15+s16], $0x140, $0x38;
	[tilespmem:$0x14280] =	vst v63  }
0x27: {  	p1 =	sge.u32 s31, s8  }
.Ltmp2:
0x28: {  	_ = 	snop;
	(pc) =	sbr.rel @p1 .LBB2_7-.Ltmp2, $1  }
0x29: {  	_ =	sdelay $0x3  }
0x2a: {  	s14 =	simm.s32 $0x1  }
0x2b: {  	s14 =	simm.s32 @!p0 $0x0  }
0x2c: {  	s15 =	smul.u32 $0x500, s14  }
0x2d: {  	_ =	swait.ge [sflag:s7], $0x140  }
0x2e: {  	[sflag:s7] =	ssyncset.done $0x0;
	s16 =	sshrl.u32 s15, $0x2  }
0x2f: {  	[sflag:s7] =	ssyncadd.s32 $0xFFFFFEC0;
	s15 =	sadd.s32 $0x0, s16  }
0x30: {  	v0 =	vld.msk [tilespmem:s15+$0x0 ss:$0x1], $0xffff;
	_ =	sdelay $0x4  }
0x31: {  	vm2 =	vgt.s32 v0, $0x0  }
0x32: {  	v0 =	vnsel vm2, $0x0, v0  }
0x33: {  	v0 =	vmin.u32 v0, $0x31FF  }
0x34: {  	v0 =	vshll.u32 v0, $0x4  }
0x35: {  	s14 =	smul.u32 $0x28000, s14;
	_ =	sdelay $0x1  }
0x36: {  	s14 =	sshrl.u32 s14, $0x2  }
0x37: {  	s14 =	sor.u32 $0x280, s14  }
0x38: {  	[tilespmem:s14], [sflag:$0x1] =	stream.indirect_vreg.gather [hbm:s5], $0x80, v0, vm0, $0x38;
	[tilespmem:$0x14280] =	vst v63  }
0x39: {  	s17 =	sadd.s32 $0x10, s16;
	s15 =	sadd.s32 $0x400, s14  }
0x3a: {  	[tilespmem:s15], [sflag:$0x1] =	stream.indirect_vreg.gather [hbm:s5], $0x80, v0, vm1, $0x38;
	[tilespmem:$0x14280] =	vst v63  }
0x3b: {  	s18 =	simm.s32 $0x80;
	v0 =	vld.msk [tilespmem:s17+$0x0 ss:$0x1], $0xffff;
	s17 =	smov.u32 s14  }
.LBB2_3:
0x3c: {  	p1 =	sne.s32 s18, $0x4C0;
	_ =	sdelay $0x4  }
0x3d: {  	vm2 =	vgt.s32 v0, $0x0  }
0x3e: {  	v0 =	vnsel vm2, $0x0, v0  }
0x3f: {  	v0 =	vmin.u32 v0, $0x31FF  }
0x40: {  	v0 =	vshll.u32 v0, $0x4;
	_ =	sdelay $0x3  }
.Ltmp3:
0x41: {  	s19 =	sshra.s32 s18, $0x2;
	s17 =	sadd.s32 $0x800, s17;
	(pc) =	sbr.rel @p1 .LBB2_3-.Ltmp3, $4  }
0x42: {  	[tilespmem:s17], [sflag:$0x1] =	stream.indirect_vreg.gather [hbm:s5], $0x80, v0, vm0, $0x38;
	[tilespmem:$0x14280] =	vst v63  }
0x43: {  	s19 =	sadd.s32 s19, s16;
	s20 =	sadd.s32 $0x400, s17  }
0x44: {  	[tilespmem:s20], [sflag:$0x1] =	stream.indirect_vreg.gather [hbm:s5], $0x80, v0, vm1, $0x38;
	[tilespmem:$0x14280] =	vst v63  }
0x45: {  	s18 =	sadd.s32 $0x40, s18;
	v0 =	vld.msk [tilespmem:s19+$0x0 ss:$0x1], $0xffff  }
0x46: {  	_ =	sdelay $0x3  }
0x47: {  	vm2 =	vgt.s32 v0, $0x0  }
0x48: {  	v0 =	vnsel vm2, $0x0, v0  }
0x49: {  	v0 =	vmin.u32 v0, $0x31FF  }
0x4a: {  	v0 =	vshll.u32 v0, $0x4;
	_ =	sdelay $0x3  }
0x4b: {  	s16 =	sadd.s32 $0x800, s17  }
0x4c: {  	[tilespmem:s16], [sflag:$0x1] =	stream.indirect_vreg.gather [hbm:s5], $0x80, v0, vm0, $0x38;
	[tilespmem:$0x14280] =	vst v63  }
0x4d: {  	s16 =	sadd.s32 $0x400, s16  }
0x4e: {  	[tilespmem:s16], [sflag:$0x1] =	stream.indirect_vreg.gather [hbm:s5], $0x80, v0, vm1, $0x38;
	[tilespmem:$0x14280] =	vst v63  }
0x4f: {  	s13 =	sshll.u32 s13, $0x4;
	_ =	swait.ge [sflag:s6], $0xA000  }
0x50: {  	s13 =	sadd.s32 s13, s9;
	[sflag:s6] =	ssyncset.done $0x0  }
0x51: {  	s17 =	sadd.s32 $0x0, s13;
	s16 =	simm.s32 $0x80;
	[sflag:s6] =	ssyncadd.s32 $0xFFFF6000  }
.LBB2_5:
0x52: {  	[hbm:s17] =	stream.linear.scatter [tilespmem:s14], [sflag:$0x3], $0x400, $0x38;
	[tilespmem:$0x14280] =	vst v63  }
0x53: {  	s17 =	smov.u32 s16;
	s14 =	smov.u32 s15;
	p1 =	sne.s32 s16, $0x1380  }
.Ltmp4:
0x54: {  	s16 =	sadd.s32 $0x80, s16;
	(pc) =	sbr.rel @p1 .LBB2_5-.Ltmp4, $2  }
0x55: {  	_ =	sdelay $0x2  }
0x56: {  	s15 =	sadd.s32 $0x400, s15;
	s17 =	sadd.s32 s17, s13  }
.Ltmp5:
0x57: {  	_ = 	snop;
	(pc) =	sbr.rel .LBB2_6-.Ltmp5, $1  }
0x58: {  	_ =	sdelay $0x3  }
.LBB2_8:
0x59: {  	_ =	sfence.sel $0x180000  }
0x5a: {  	s1 =	simm.s32 $0x2;
	[bflag:$0x0] =	sbarrier.arrive $0xFFFF  }
0x5b: {  	s30 =	simm.s32 $0x3;
	[sflag:s1] =	ssyncpa.u1 $0x1  }
0x5c: {  	s31 =	simm.s32 $0x1;
	[sflag:s30] =	ssyncpa.u1 $0x1  }
0x5d: {  	[sflag:s31] =	ssyncpa.u1 $0x1  }
0x5e: {  	p0 =	sne.s32 s0, $0x0;
	_ =	strace $0x9000004A  }
0x5f: {  	s0 =	sadd.s32 @!p0 $0x100000, s2;
	[bflag:$0x2] =	sbarrier.arrive $0xFFFF  }
0x60: {  	[sflag:s0] =	ssyncadd.tile.s32 @!p0 $0x1;
	_ =	shalt  }
.Lfunc_end2:
_tile_overlayer_lowered:
.L_overlay_start_2:
0x61: {  	(tag) =	ssettag $0x2  }
0x62: {  	s0 =	rddreg [dreg:$0x0];
	s2 =	stileid.u32  }
0x63: {  	s1 =	rddreg [dreg:$0x1];
	p0 =	sne.s32 s2, $0x0  }
0x64: {  	s3 =	rddreg [dreg:$0x2];
	[bflag:$0x3] =	sbarrier.arrive $0xFFFF;
	s2 =	simm.s32 @!p0 $0x1C01  }
0x65: {  	[timem:s3], [sflag:s2] =	dma.local @!p0 [hbm:s0], s1  }
0x66: {  	s0 =	simm.s32 @!p0 $0x1  }
0x67: {  	_ =	swait.ge @!p0 [sflag:s0], s1  }
0x68: {  	s1 =	ssub.s32 @!p0 $0x0, s1;
	[sflag:s0] =	ssyncset.done @!p0 $0x0  }
0x69: {  	[sflag:s0] =	ssyncadd.s32 @!p0 s1  }
0x6a: {  	[bflag:$0x3] =	sbarrier.arrive $0xFFFF  }
0x6b: {  	_ =	shalt  }

// kernel: kernel.6.cloned.1.call-start
scs
__scs_entry_jumppad:
0x0: {  	(pc) =	sbr.rel $0x88, $3  }
0x1: {  	(tag) =	ssettag $0x0;
	lr =	simm.s32 $0x1  }
0x2: {  	[smem:$0x3F8D] =	sst lr;
	_ =	strace $0xD0000000  }
0x3: {  	_ = 	snop  }
0x4: {  	_ = 	snop  }
0x5: {  	_ = 	snop  }
0x6: {  	_ = 	snop  }
0x7: {  	_ = 	snop  }
__scs_overlays_trampoline_lowered:
0x8: {  	[smem:$0x3F9C] =	sst s0  }
0x9: {  	[smem:$0x3F9D] =	sst s1  }
0xa: {  	[smem:$0x3F9E] =	sst s2  }
0xb: {  	[smem:$0x3F9F] =	sst s3  }
0xc: {  	[smem:$0x3FA0] =	sst s4  }
0xd: {  	[smem:$0x3FA1] =	sst s5  }
0xe: {  	[smem:$0x3FA2] =	sst s6  }
0xf: {  	[smem:$0x3FA3] =	sst s7  }
0x10: {  	[smem:$0x3FA4] =	sst s8  }
0x11: {  	[smem:$0x3FA5] =	sst s9;
	s0 =	simm.s32 @!p0 $0x0  }
0x12: {  	s1 =	sld [smem:$0x3F8B];
	s0 =	simm.s32 @p0 $0x1  }
0x13: {  	[smem:$0x3FA6] =	sst s0;
	s0 =	simm.s32 @!p1 $0x0  }
0x14: {  	s2 =	sld [smem:$0x3F8A];
	s0 =	simm.s32 @p1 $0x1  }
0x15: {  	[smem:$0x3FA7] =	sst s0;
	s0 =	simm.s32 @!p2 $0x0  }
0x16: {  	s3 =	sld [smem:$0x3FDB];
	s0 =	simm.s32 @p2 $0x1  }
0x17: {  	s4 =	simm.s32 $0x1BF5;
	[smem:$0x3FA9] =	sst s0  }
0x18: {  	s0 =	sld [smem:$0x3F8C];
	_ =	swait.ge [sflag:s4], $0x0  }
0x19: {  	s7 =	sld [smem:$0x3F8D]  }
0x1a: {  	s8 =	sadd.s32 $0xFFFFE003, lr  }
0x1b: {  	s9 =	sadd.s32 $0xFFFFFEF7, lr;
	s5 =	simm.s32 $0xFFFFFFFF;
	p2 =	slt.u32 s8, $0xFFFFF086  }
0x1c: {  	p1 =	slt.u32 s9, $0xF7A;
	s5 =	simm.s32 @!p2 $0x0  }
0x1d: {  	s5 =	simm.s32 @p1 $0x1;
	p0 =	seq.s32 s7, s2  }
0x1e: {  	s7 =	smul.u32 @!p0 $0xF7A, s2;
	p2 =	seq.s32 @!p0 s5, $0x0  }
0x1f: {  	s9 =	smul.u32 $0xF7A, s1;
	s8 =	simm.s32 @!p0 $0x1BF5;
	p2 =	por !p2, p0  }
0x20: {  	[sflag:s8] =	ssyncset.s32 @!p0 $0xFFFFF086;
	s6 =	sadd.s32 @!p0 s3, s7;
	s7 =	simm.s32 @!p0 $0x108  }
0x21: {  	s3 =	sadd.s32 s3, s9;
	s6 =	sadd.s32 @!p0 $0x88, s6;
	s7 =	simm.s32 @p2 $0x1082  }
0x22: {  	[simem:s7], [sflag:s8] =	dma.local @!p0 [hbm:s6], $0xF7A  }
0x23: {  	s9 =	sor.u32 $0xD0000000, s2;
	s6 =	simm.s32 $0x108;
	_ =	swait.ge @!p0 [sflag:s8], $0x0  }
0x24: {  	s3 =	sadd.s32 $0x88, s3;
	s6 =	simm.s32 @!p1 $0x1082;
	[sflag:s4] =	ssyncset.s32 $0xFFFFF086  }
0x25: {  	[simem:s6], [sflag:s4] =	dma.local [hbm:s3], $0xF7A  }
0x26: {  	[smem:$0x3F8D] =	sst s1;
	(tag) =	ssettag s2;
	_ =	strace s9  }
0x27: {  	s1 =	sld [smem:$0x3F9D]  }
0x28: {  	s2 =	sld [smem:$0x3F9E]  }
0x29: {  	s4 =	sld [smem:$0x3FA0]  }
0x2a: {  	p0 =	seq.s32 s5, $0x0;
	s5 =	sld [smem:$0x3FA1]  }
0x2b: {  	s6 =	sld [smem:$0x3FA2]  }
0x2c: {  	s7 =	sld [smem:$0x3FA3]  }
0x2d: {  	s3 =	simm.s32 $0x108;
	s8 =	sld [smem:$0x3FA4]  }
0x2e: {  	s3 =	simm.s32 @!p0 $0x1082;
	s9 =	sld [smem:$0x3FA5]  }
0x2f: {  	lr =	sadd.s32 s0, s3;
	s0 =	sld [smem:$0x3F9C]  }
0x30: {  	s3 =	sld [smem:$0x3F9F]  }
0x31: {  	[smem:$0x3FA8] =	sst s10  }
0x32: {  	s10 =	sld [smem:$0x3FA6];
	_ =	sdelay $0x3  }
0x33: {  	p0 =	seq.s32 s10, $0x1;
	s10 =	sld [smem:$0x3FA8];
	_ =	sdelay $0x3  }
0x34: {  	[smem:$0x3FA8] =	sst s10  }
0x35: {  	s10 =	sld [smem:$0x3FA7];
	_ =	sdelay $0x3  }
0x36: {  	p1 =	seq.s32 s10, $0x1;
	s10 =	sld [smem:$0x3FA8];
	_ =	sdelay $0x3  }
0x37: {  	[smem:$0x3FA8] =	sst s10  }
0x38: {  	s10 =	sld [smem:$0x3FA9]  }
0x39: {  	_ = 	snop;
	(pc) =	sbr.ind lr, $3  }
0x3a: {  	_ = 	snop  }
0x3b: {  	_ = 	snop  }
0x3c: {  	p2 =	seq.s32 s10, $0x1;
	s10 =	sld [smem:$0x3FA8]  }
0x3d: {  	_ =	shalt  }
0x3e: {  	_ =	shalt  }
0x3f: {  	_ =	shalt  }
0x40: {  	_ =	shalt  }
0x41: {  	_ =	shalt  }
0x42: {  	_ =	shalt  }
0x43: {  	_ =	shalt  }
0x44: {  	_ =	shalt  }
0x45: {  	_ =	shalt  }
0x46: {  	_ =	shalt  }
0x47: {  	_ =	shalt  }
0x48: {  	_ =	shalt  }
0x49: {  	_ =	shalt  }
0x4a: {  	_ =	shalt  }
0x4b: {  	_ =	shalt  }
0x4c: {  	_ =	shalt  }
0x4d: {  	_ =	shalt  }
0x4e: {  	_ =	shalt  }
0x4f: {  	_ =	shalt  }
0x50: {  	_ =	shalt  }
0x51: {  	_ =	shalt  }
0x52: {  	_ =	shalt  }
0x53: {  	_ =	shalt  }
0x54: {  	_ =	shalt  }
0x55: {  	_ =	shalt  }
0x56: {  	_ =	shalt  }
0x57: {  	_ =	shalt  }
0x58: {  	_ =	shalt  }
0x59: {  	_ =	shalt  }
0x5a: {  	_ =	shalt  }
0x5b: {  	_ =	shalt  }
0x5c: {  	_ =	shalt  }
0x5d: {  	_ =	shalt  }
0x5e: {  	_ =	shalt  }
0x5f: {  	_ =	shalt  }
0x60: {  	_ =	shalt  }
0x61: {  	_ =	shalt  }
0x62: {  	_ =	shalt  }
0x63: {  	_ =	shalt  }
0x64: {  	_ =	shalt  }
0x65: {  	_ =	shalt  }
0x66: {  	_ =	shalt  }
0x67: {  	_ =	shalt  }
0x68: {  	_ =	shalt  }
0x69: {  	_ =	shalt  }
0x6a: {  	_ =	shalt  }
0x6b: {  	_ =	shalt  }
0x6c: {  	_ =	shalt  }
0x6d: {  	_ =	shalt  }
0x6e: {  	_ =	shalt  }
0x6f: {  	_ =	shalt  }
0x70: {  	_ =	shalt  }
0x71: {  	_ =	shalt  }
0x72: {  	_ =	shalt  }
0x73: {  	_ =	shalt  }
0x74: {  	_ =	shalt  }
0x75: {  	_ =	shalt  }
0x76: {  	_ =	shalt  }
0x77: {  	_ =	shalt  }
0x78: {  	_ =	shalt  }
0x79: {  	_ =	shalt  }
0x7a: {  	_ =	shalt  }
0x7b: {  	_ =	shalt  }
0x7c: {  	_ =	shalt  }
0x7d: {  	_ =	shalt  }
0x7e: {  	_ =	shalt  }
0x7f: {  	_ =	shalt  }
0x80: {  	_ =	shalt  }
0x81: {  	_ =	shalt  }
0x82: {  	_ =	shalt  }
0x83: {  	_ =	shalt  }
0x84: {  	_ =	shalt  }
0x85: {  	_ =	shalt  }
0x86: {  	_ =	shalt  }
0x87: {  	_ =	shalt  }
.Lfunc_end0:
.L_simem_size_0:
called_computation.1_lowered:
.L_overlay_start_0:
0x88: {  	s2 =	sld [smem:$0x3FD9]  }
0x89: {  	s3 =	sld [smem:$0x3FFE];
	_ =	sdelay $0x1  }
0x8a: {  	s1 =	srdreg.scid  }
0x8b: {  	s0 =	sand.u32 $0x1, s1  }
0x8c: {  	s16 =	sshll.u32 s0, $0xA;
	s2 =	sadd.s32 s3, s2  }
0x8d: {  	s2 =	sadd.s32 s2, s16  }
0x8e: {  	[smem:$0x3FB4] =	sst s2  }
0x8f: {  	_ = 	snop  }
0x90: {  	(tm) =	ssettm $0x1  }
0x91: {  	s17 =	sld [smem:$0x3FFB];
	_ =	sdelay $0x3  }
0x92: {  	_ =	strace s17  }
0x93: {  	s2 =	sld [smem:$0x3FFC];
	_ =	sdelay $0x3  }
0x94: {  	_ =	strace s2  }
0x95: {  	s2 =	sld [smem:$0x3FFD];
	_ =	sdelay $0x3  }
0x96: {  	_ =	strace s2  }
0x97: {  	_ =	strace $0x8FFFFFFF  }
0x98: {  	s18 =	sld [smem:$0x3FDB];
	_ =	sdelay $0x1  }
0x99: {  	s19 =	simm.s32 $_scs_section_size  }
0x9a: {  	s4 =	simm.s32 $_size__tile_overlayer_lowered;
	s5 =	simm.s32 $_tile_overlayer_lowered  }
0x9b: {  	s22 =	simm.s32 $0x1BFF;
	s21 =	sshll.u32 s5, $0x1;
	s2 =	sadd.s32 s19, s18  }
0x9c: {  	s6 =	simm.s32 $0x0;
	s20 =	sshll.u32 s4, $0x1;
	s4 =	sadd.s32 s21, s2  }
0x9d: {  	[timem:s6], [sflag:s22] =	dma.local [hbm:s4], s20  }
0x9e: {  	_ =	swait.ge [sflag:s22], s20  }
0x9f: {  	s3 =	ssub.s32 $0x0, s20;
	[sflag:s22] =	ssyncset.done $0x0  }
0xa0: {  	[sflag:s22] =	ssyncadd.s32 s3;
	_ =	sdelay $0x1  }
0xa1: {  	s23 =	simm.s32 $0x1B8B  }
0xa2: {  	_ =	swait.ge [sflag:s23], $0x1  }
0xa3: {  	[sflag:s23] =	ssyncset.done $0x0  }
0xa4: {  	s25 =	simm.s32 $0x1B8E;
	s24 =	sld [smem:$0x3FFE];
	[sflag:s23] =	ssyncadd.s32 $0xFFFFFFFF  }
0xa5: {  	s26 =	simm.s32 $execute0_lowered;
	[smem:$0x3FD2] =	sst s25  }
0xa6: {  	s4 =	sshll.u32 s26, $0x1;
	_ =	strace $0x80000046;
	[dreg:$0x1] =	wrdreg $0xFFFFFFFF  }
0xa7: {  	s28 =	simm.s32 $_size_execute0_lowered;
	s2 =	sadd.s32 s2, s4;
	[dreg:$0x0] =	wrdreg $0x0  }
0xa8: {  	s4 =	sshll.u32 s28, $0x1;
	[dreg:$0x2] =	wrdreg s2  }
0xa9: {  	[dreg:$0x3] =	wrdreg s4  }
0xaa: {  	[dreg:$0x4] =	wrdreg $0xC0  }
0xab: {  	_ =	task [dreg:s6], $0x5FFFF  }
0xac: {  	[dreg:$0x1] =	wrdreg $0xFFFFFFFF  }
0xad: {  	[dreg:$0x0] =	wrdreg $0x60  }
0xae: {  	[dreg:$0x2] =	wrdreg s24  }
0xaf: {  	[dreg:$0x3] =	wrdreg $0xA  }
0xb0: {  	_ =	task.clear_ibuf [dreg:s6], $0x4FFFF;
	_ =	strace $0x90000046  }
0xb1: {  	s29 =	simm.s32 $0xA;
	_ =	strace $0x80000048  }
0xb2: {  	_ =	swait.ge [sflag:s29], $0x1  }
0xb3: {  	[sflag:s29] =	ssyncadd.s32 $0xFFFFFFFF  }
0xb4: {  	_ =	strace $0x90000048  }
0xb5: {  	_ =	sfence  }
0xb6: {  	s30 =	sld [smem:$0x0];
	_ =	sdelay $0x2  }
0xb7: {  	s31 =	sshll.u32 s1, $0xD;
	s1 =	sshrl.u32 s1, $0x2  }
0xb8: {  	s3 =	sand.u32 $0x4000, s31;
	s1 =	sadd.s32 s1, s30  }
0xb9: {  	s0 =	sor.u32 s3, s0;
	s1 =	sshll.u32 s1, $0x11  }
0xba: {  	s0 =	sor.u32 s1, s0  }
0xbb: {  	s0 =	sadd.s32 $0x8F2B, s0  }
0xbc: {  	[sflag:s0] =	ssyncadd.remote.s32 $0x1  }
0xbd: {  	_ =	sfence.sel $0xFFFF  }
0xbe: {  	[dreg:$0x0] =	wrdreg $0xFFFFFFFF;
	(pc) =	sbr.abs _section_cstart, $3  }
0xbf: {  	[dreg:$0x1] =	wrdreg $0xFFFFFFFF  }
0xc0: {  	_ =	task.clear_ibuf [dreg:s6], $0x2FFFF;
	_ =	strace $0x9FFFFFFF  }
0xc1: {  	(tm) =	ssettm $0x7FFFFFFF  }
tec
execute0_lowered:
.L_overlay_start_1:
0x0: {  	(tag) =	ssettag $0x1  }
0x1: {  	s0 =	srdreg.scid  }
0x2: {  	s9 =	stileid.u32;
	s4 =	rddreg [dreg:$0x0]  }
0x3: {  	s2 =	simm.s32 $0x0;
	s16 =	simm.s32 $0x2800;
	s17 =	simm.s32 $0x7D  }
0x4: {  	s18 =	simm.s32 $0x5000;
	s19 =	simm.s32 $0x57D0;
	s20 =	simm.s32 $0x5FA0  }
0x5: {  	s21 =	simm.s32 $0x6770;
	s22 =	simm.s32 $0x1;
	s23 =	simm.s32 $0x2  }
0x6: {  	s28 =	simm.s32 $0x4F80;
	s29 =	simm.s32 $0x0;
	s0 =	sand.u32 $0x1, s0  }
0x7: {  	s1 =	sshll.u32 s9, $0x1;
	[smem:$0x7FF] =	sst s2;
	s13 =	smul.u32 $0x9C40, s9  }
0x8: {  	s1 =	sor.u32 s0, s1;
	s7 =	ssub.s32 $0x2, s0;
	s0 =	smul.u32 $0x4E20, s0  }
0x9: {  	s11 =	sadd.s32 $0x1B200, s4;
	s12 =	sadd.s32 $0xB7600, s4;
	s3 =	smul.u32 $0x500, s1  }
0xa: {  	_ =	strace $0x80000047;
	s6 =	smul.u32 $0x27100, s1;
	s30 =	sshrl.u32 s7, $0x1  }
0xb: {  	s1 =	smul.u32 $0x4E20, s1;
	s14 =	sadd.s32 s13, s11;
	s15 =	sadd.s32 s13, s12  }
0xc: {  	s8 =	ssub.s32 s7, s30;
	s14 =	sadd.s32 s0, s14;
	s0 =	sadd.s32 s0, s15  }
0xd: {  	s15 =	simm.s32 $0x3;
	s5 =	sadd.s32 s3, s4;
	s3 =	sadd.s32 $0x16200, s4  }
0xe: {  	s6 =	sshrl.u32 s6, $0x3;
	s10 =	sadd.s32 $0x4A38, s1;
	s8 =	smax.u32 s8, $0x1  }
0xf: {  	s1 =	sadd.s32 $0x4B32, s1;
	s13 =	sadd.s32 $0xFA, s14;
	s14 =	sadd.s32 $0xFA, s0  }
0x10: {  	s31 =	sadd.s32 $0x4D26, s6;
	s4 =	sadd.s32 $0x2200, s5;
	s5 =	sadd.s32 $0xC200, s5  }
0x11: {  	s9 =	sadd.s32 s11, s10;
	s10 =	sadd.s32 s12, s10;
	s6 =	sadd.s32 s11, s31  }
0x12: {  	s7 =	sadd.s32 s12, s31;
	s11 =	sadd.s32 s11, s1;
	s12 =	sadd.s32 s12, s1  }
.LBB2_1:
0x13: {  	[tilespmem:s2], [sflag:$0x3] =	stream.linear.gather [hbm4b:s4+s2], $0x2800, $0x38;
	[tilespmem:$0x6F40] =	vst v63  }
0x14: {  	_ =	swait.ge [sflag:s15], $0x2800  }
0x15: {  	[sflag:s15] =	ssyncset.done $0x0  }
0x16: {  	[sflag:s15] =	ssyncadd.s32 $0xFFFFD800  }
0x17: {  	[tilespmem:s16], [sflag:$0x3] =	stream.linear.gather [hbm4b:s5+s2], $0x2800, $0x38;
	[tilespmem:$0x6F40] =	vst v63  }
0x18: {  	_ =	swait.ge [sflag:s15], $0x2800  }
0x19: {  	[sflag:s15] =	ssyncset.done $0x0  }
0x1a: {  	[sflag:s15] =	ssyncadd.s32 $0xFFFFD800  }
0x1b: {  	[tilespmem:s18], [sflag:$0x1] =	stream.indirect.gather [hbm4b:s3+s17], $0x10, s2, s17, $0xb8;
	[tilespmem:$0x6F40] =	vst v63  }
0x1c: {  	_ = 	snop  }
0x1d: {  	[tilespmem:s19], [sflag:$0x1] =	stream.indirect.gather [hbm4b:s3+s17], $0x10, s16, s17, $0xb8;
	[tilespmem:$0x6F40] =	vst v63  }
0x1e: {  	s0 =	simm.s32 $0x80  }
0x1f: {  	[tilespmem:s20], [sflag:$0x2] =	stream.indirect.gather [hbm4b:s3+s17], $0x10, s0, s17, $0xb8;
	[tilespmem:$0x6F40] =	vst v63  }
0x20: {  	s26 =	simm.s32 $0x2880  }
0x21: {  	[tilespmem:s21], [sflag:$0x2] =	stream.indirect.gather [hbm4b:s3+s17], $0x10, s26, s17, $0xb8;
	[tilespmem:$0x6F40] =	vst v63  }
0x22: {  	_ =	swait.ge [sflag:s22], $0x7D0  }
0x23: {  	[sflag:s22] =	ssyncset.done $0x0  }
0x24: {  	[sflag:s22] =	ssyncadd.s32 $0xFFFFF830  }
0x25: {  	_ =	swait.ge [sflag:s22], $0x7D0  }
0x26: {  	[sflag:s22] =	ssyncset.done $0x0  }
0x27: {  	s1 =	sadd.s32 $0xFFFFFF06, s13;
	[sflag:s22] =	ssyncadd.s32 $0xFFFFF830  }
0x28: {  	[hbm4b:s1+s2] =	stream.linear.scatter [tilespmem:s18], [sflag:$0x3], $0x7D0, $0x38;
	[tilespmem:$0x6F40] =	vst v63  }
0x29: {  	_ =	swait.ge [sflag:s15], $0x7D0  }
0x2a: {  	[sflag:s15] =	ssyncset.done $0x0  }
0x2b: {  	s24 =	sadd.s32 $0xFFFFFF06, s14;
	[sflag:s15] =	ssyncadd.s32 $0xFFFFF830  }
0x2c: {  	[hbm4b:s24+s2] =	stream.linear.scatter [tilespmem:s19], [sflag:$0x3], $0x7D0, $0x38;
	[tilespmem:$0x6F40] =	vst v63  }
0x2d: {  	_ =	swait.ge [sflag:s15], $0x7D0  }
0x2e: {  	[sflag:s15] =	ssyncset.done $0x0  }
0x2f: {  	s25 =	simm.s32 $0x100;
	[sflag:s15] =	ssyncadd.s32 $0xFFFFF830  }
0x30: {  	[tilespmem:s18], [sflag:$0x1] =	stream.indirect.gather [hbm4b:s3+s17], $0x10, s25, s17, $0xb8;
	[tilespmem:$0x6F40] =	vst v63  }
0x31: {  	s26 =	simm.s32 $0x2900  }
0x32: {  	[tilespmem:s19], [sflag:$0x1] =	stream.indirect.gather [hbm4b:s3+s17], $0x10, s26, s17, $0xb8;
	[tilespmem:$0x6F40] =	vst v63  }
0x33: {  	_ =	swait.ge [sflag:s23], $0x7D0  }
0x34: {  	[sflag:s23] =	ssyncset.done $0x0  }
0x35: {  	[sflag:s23] =	ssyncadd.s32 $0xFFFFF830  }
0x36: {  	_ =	swait.ge [sflag:s23], $0x7D0  }
0x37: {  	[sflag:s23] =	ssyncset.done $0x0  }
0x38: {  	[sflag:s23] =	ssyncadd.s32 $0xFFFFF830  }
0x39: {  	[hbm4b:s13+s2] =	stream.linear.scatter [tilespmem:s20], [sflag:$0x3], $0x7D0, $0x38;
	[tilespmem:$0x6F40] =	vst v63  }
0x3a: {  	_ =	swait.ge [sflag:s15], $0x7D0  }
0x3b: {  	[sflag:s15] =	ssyncset.done $0x0  }
0x3c: {  	[sflag:s15] =	ssyncadd.s32 $0xFFFFF830  }
0x3d: {  	[hbm4b:s14+s2] =	stream.linear.scatter [tilespmem:s21], [sflag:$0x3], $0x7D0, $0x38;
	[tilespmem:$0x6F40] =	vst v63  }
0x3e: {  	s30 =	sadd.s32 $0x1F4, s14;
	s31 =	sadd.s32 $0x1F4, s13;
	_ =	swait.ge [sflag:s15], $0x7D0  }
0x3f: {  	s0 =	simm.s32 $0x800;
	s1 =	simm.s32 $0x100;
	[sflag:s15] =	ssyncset.done $0x0  }
.LBB2_2:
0x40: {  	s26 =	sadd.s32 $0x80, s1  }
0x41: {  	[sflag:s15] =	ssyncadd.s32 $0xFFFFF830;
	s24 =	smov.u32 s0;
	s25 =	sadd.s32 $0x400, s0  }
0x42: {  	[tilespmem:s20], [sflag:$0x2] =	stream.indirect.gather [hbm4b:s3+s17], $0x10, s26, s17, $0xb8;
	[tilespmem:$0x6F40] =	vst v63  }
0x43: {  	p0 =	sne.s32 s0, $0x9400;
	s0 =	sadd.s32 $0x2880, s1  }
0x44: {  	[tilespmem:s21], [sflag:$0x2] =	stream.indirect.gather [hbm4b:s3+s17], $0x10, s0, s17, $0xb8;
	[tilespmem:$0x6F40] =	vst v63  }
0x45: {  	_ =	swait.ge [sflag:s22], $0x7D0  }
0x46: {  	[sflag:s22] =	ssyncset.done $0x0  }
0x47: {  	[sflag:s22] =	ssyncadd.s32 $0xFFFFF830  }
0x48: {  	_ =	swait.ge [sflag:s22], $0x7D0  }
0x49: {  	[sflag:s22] =	ssyncset.done $0x0  }
0x4a: {  	s0 =	sadd.s32 $0xFFFFFF06, s31;
	[sflag:s22] =	ssyncadd.s32 $0xFFFFF830  }
0x4b: {  	[hbm4b:s0+s2] =	stream.linear.scatter [tilespmem:s18], [sflag:$0x3], $0x7D0, $0x38;
	[tilespmem:$0x6F40] =	vst v63  }
0x4c: {  	_ =	swait.ge [sflag:s15], $0x7D0  }
0x4d: {  	[sflag:s15] =	ssyncset.done $0x0  }
0x4e: {  	s0 =	sadd.s32 $0xFFFFFF06, s30;
	[sflag:s15] =	ssyncadd.s32 $0xFFFFF830  }
0x4f: {  	[hbm4b:s0+s2] =	stream.linear.scatter [tilespmem:s19], [sflag:$0x3], $0x7D0, $0x38;
	[tilespmem:$0x6F40] =	vst v63  }
0x50: {  	_ =	swait.ge [sflag:s15], $0x7D0  }
0x51: {  	[sflag:s15] =	ssyncset.done $0x0  }
0x52: {  	s0 =	sadd.s32 $0x100, s1;
	[sflag:s15] =	ssyncadd.s32 $0xFFFFF830  }
0x53: {  	[tilespmem:s18], [sflag:$0x1] =	stream.indirect.gather [hbm4b:s3+s17], $0x10, s0, s17, $0xb8;
	[tilespmem:$0x6F40] =	vst v63  }
0x54: {  	s0 =	sadd.s32 $0x2900, s1  }
0x55: {  	[tilespmem:s19], [sflag:$0x1] =	stream.indirect.gather [hbm4b:s3+s17], $0x10, s0, s17, $0xb8;
	[tilespmem:$0x6F40] =	vst v63  }
0x56: {  	_ =	swait.ge [sflag:s23], $0x7D0  }
0x57: {  	[sflag:s23] =	ssyncset.done $0x0  }
0x58: {  	[sflag:s23] =	ssyncadd.s32 $0xFFFFF830  }
0x59: {  	_ =	swait.ge [sflag:s23], $0x7D0  }
0x5a: {  	[sflag:s23] =	ssyncset.done $0x0  }
0x5b: {  	[sflag:s23] =	ssyncadd.s32 $0xFFFFF830  }
0x5c: {  	[hbm4b:s31+s2] =	stream.linear.scatter [tilespmem:s20], [sflag:$0x3], $0x7D0, $0x38;
	[tilespmem:$0x6F40] =	vst v63  }
0x5d: {  	_ =	swait.ge [sflag:s15], $0x7D0  }
.Ltmp0:
0x5e: {  	[sflag:s15] =	ssyncset.done $0x0;
	(pc) =	sbr.rel @p0 .LBB2_2-.Ltmp0, $4  }
0x5f: {  	[sflag:s15] =	ssyncadd.s32 $0xFFFFF830  }
0x60: {  	[hbm4b:s30+s2] =	stream.linear.scatter [tilespmem:s21], [sflag:$0x3], $0x7D0, $0x38;
	[tilespmem:$0x6F40] =	vst v63  }
0x61: {  	s1 =	sshra.s32 s24, $0x2;
	s30 =	sadd.s32 $0x1F4, s30;
	_ =	swait.ge [sflag:s15], $0x7D0  }
0x62: {  	s0 =	smov.u32 s25;
	s31 =	sadd.s32 $0x1F4, s31;
	[sflag:s15] =	ssyncset.done $0x0  }
0x63: {  	s0 =	sadd.s32 $0x80, s1;
	[sflag:s15] =	ssyncadd.s32 $0xFFFFF830  }
0x64: {  	[tilespmem:s20], [sflag:$0x2] =	stream.indirect.gather [hbm4b:s3+s17], $0x10, s0, s17, $0xb8;
	[tilespmem:$0x6F40] =	vst v63  }
0x65: {  	s24 =	sadd.s32 $0x2880, s1  }
0x66: {  	[tilespmem:s21], [sflag:$0x2] =	stream.indirect.gather [hbm4b:s3+s17], $0x10, s24, s17, $0xb8;
	[tilespmem:$0x6F40] =	vst v63  }
0x67: {  	_ =	swait.ge [sflag:s22], $0x7D0  }
0x68: {  	[sflag:s22] =	ssyncset.done $0x0  }
0x69: {  	[sflag:s22] =	ssyncadd.s32 $0xFFFFF830  }
0x6a: {  	_ =	swait.ge [sflag:s22], $0x7D0  }
0x6b: {  	[sflag:s22] =	ssyncset.done $0x0  }
0x6c: {  	s25 =	sadd.s32 $0xFFFFFF06, s31;
	[sflag:s22] =	ssyncadd.s32 $0xFFFFF830  }
0x6d: {  	[hbm4b:s25+s2] =	stream.linear.scatter [tilespmem:s18], [sflag:$0x3], $0x7D0, $0x38;
	[tilespmem:$0x6F40] =	vst v63  }
0x6e: {  	_ =	swait.ge [sflag:s15], $0x7D0  }
0x6f: {  	[sflag:s15] =	ssyncset.done $0x0  }
0x70: {  	s26 =	sadd.s32 $0xFFFFFF06, s30;
	[sflag:s15] =	ssyncadd.s32 $0xFFFFF830  }
0x71: {  	[hbm4b:s26+s2] =	stream.linear.scatter [tilespmem:s19], [sflag:$0x3], $0x7D0, $0x38;
	[tilespmem:$0x6F40] =	vst v63  }
0x72: {  	_ =	swait.ge [sflag:s15], $0x7D0  }
0x73: {  	[sflag:s15] =	ssyncset.done $0x0  }
0x74: {  	s24 =	sadd.s32 $0x100, s1;
	[sflag:s15] =	ssyncadd.s32 $0xFFFFF830  }
0x75: {  	[tilespmem:s18], [sflag:$0x1] =	stream.indirect.gather [hbm4b:s3+s17], $0x10, s24, s17, $0xb8;
	[tilespmem:$0x6F40] =	vst v63  }
0x76: {  	s25 =	sadd.s32 $0x2900, s1  }
0x77: {  	[tilespmem:s19], [sflag:$0x1] =	stream.indirect.gather [hbm4b:s3+s17], $0x10, s25, s17, $0xb8;
	[tilespmem:$0x6F40] =	vst v63  }
0x78: {  	_ =	swait.ge [sflag:s23], $0x7D0  }
0x79: {  	[sflag:s23] =	ssyncset.done $0x0  }
0x7a: {  	[sflag:s23] =	ssyncadd.s32 $0xFFFFF830  }
0x7b: {  	_ =	swait.ge [sflag:s23], $0x7D0  }
0x7c: {  	[sflag:s23] =	ssyncset.done $0x0  }
0x7d: {  	[sflag:s23] =	ssyncadd.s32 $0xFFFFF830  }
0x7e: {  	[hbm4b:s31+s2] =	stream.linear.scatter [tilespmem:s20], [sflag:$0x3], $0x7D0, $0x38;
	[tilespmem:$0x6F40] =	vst v63  }
0x7f: {  	_ =	swait.ge [sflag:s15], $0x7D0  }
0x80: {  	[sflag:s15] =	ssyncset.done $0x0  }
0x81: {  	[sflag:s15] =	ssyncadd.s32 $0xFFFFF830  }
0x82: {  	[hbm4b:s30+s2] =	stream.linear.scatter [tilespmem:s21], [sflag:$0x3], $0x7D0, $0x38;
	[tilespmem:$0x6F40] =	vst v63  }
0x83: {  	_ =	swait.ge [sflag:s15], $0x7D0  }
0x84: {  	[sflag:s15] =	ssyncset.done $0x0  }
0x85: {  	s26 =	simm.s32 $0x2680;
	[sflag:s15] =	ssyncadd.s32 $0xFFFFF830  }
0x86: {  	[tilespmem:s20], [sflag:$0x2] =	stream.indirect.gather [hbm4b:s3+s17], $0x10, s26, s17, $0xb8;
	[tilespmem:$0x6F40] =	vst v63  }
0x87: {  	s30 =	simm.s32 $0x4E80  }
0x88: {  	[tilespmem:s21], [sflag:$0x2] =	stream.indirect.gather [hbm4b:s3+s17], $0x10, s30, s17, $0xb8;
	[tilespmem:$0x6F40] =	vst v63  }
0x89: {  	_ =	swait.ge [sflag:s22], $0x7D0  }
0x8a: {  	[sflag:s22] =	ssyncset.done $0x0  }
0x8b: {  	[sflag:s22] =	ssyncadd.s32 $0xFFFFF830  }
0x8c: {  	_ =	swait.ge [sflag:s22], $0x7D0  }
0x8d: {  	[sflag:s22] =	ssyncset.done $0x0  }
0x8e: {  	[sflag:s22] =	ssyncadd.s32 $0xFFFFF830  }
0x8f: {  	[hbm4b:s9+s2] =	stream.linear.scatter [tilespmem:s18], [sflag:$0x3], $0x7D0, $0x38;
	[tilespmem:$0x6F40] =	vst v63  }
0x90: {  	_ =	swait.ge [sflag:s15], $0x7D0  }
0x91: {  	[sflag:s15] =	ssyncset.done $0x0  }
0x92: {  	[sflag:s15] =	ssyncadd.s32 $0xFFFFF830  }
0x93: {  	[hbm4b:s10+s2] =	stream.linear.scatter [tilespmem:s19], [sflag:$0x3], $0x7D0, $0x38;
	[tilespmem:$0x6F40] =	vst v63  }
0x94: {  	_ =	swait.ge [sflag:s15], $0x7D0  }
0x95: {  	[sflag:s15] =	ssyncset.done $0x0  }
0x96: {  	[sflag:s15] =	ssyncadd.s32 $0xFFFFF830  }
0x97: {  	_ =	swait.ge [sflag:s23], $0x7D0  }
0x98: {  	[sflag:s23] =	ssyncset.done $0x0  }
0x99: {  	[sflag:s23] =	ssyncadd.s32 $0xFFFFF830  }
0x9a: {  	_ =	swait.ge [sflag:s23], $0x7D0  }
0x9b: {  	[sflag:s23] =	ssyncset.done $0x0  }
0x9c: {  	[sflag:s23] =	ssyncadd.s32 $0xFFFFF830  }
0x9d: {  	[hbm4b:s11+s2] =	stream.linear.scatter [tilespmem:s20], [sflag:$0x3], $0x7D0, $0x38;
	[tilespmem:$0x6F40] =	vst v63  }
0x9e: {  	_ =	swait.ge [sflag:s15], $0x7D0  }
0x9f: {  	[sflag:s15] =	ssyncset.done $0x0  }
0xa0: {  	[sflag:s15] =	ssyncadd.s32 $0xFFFFF830  }
0xa1: {  	[hbm4b:s12+s2] =	stream.linear.scatter [tilespmem:s21], [sflag:$0x3], $0x7D0, $0x38;
	[tilespmem:$0x6F40] =	vst v63  }
0xa2: {  	_ =	swait.ge [sflag:s15], $0x7D0  }
0xa3: {  	[sflag:s15] =	ssyncset.done $0x0  }
0xa4: {  	s31 =	simm.s32 $0x2780;
	[sflag:s15] =	ssyncadd.s32 $0xFFFFF830  }
0xa5: {  	[tilespmem:s18], [sflag:$0x1] =	stream.indirect.gather [hbm4b:s3+s17], $0x10, s31, s17, $0xb8;
	[tilespmem:$0x6F40] =	vst v63  }
0xa6: {  	_ = 	snop  }
0xa7: {  	[tilespmem:s19], [sflag:$0x1] =	stream.indirect.gather [hbm4b:s3+s17], $0x10, s28, s17, $0xb8;
	[tilespmem:$0x6F40] =	vst v63  }
0xa8: {  	_ =	swait.ge [sflag:s22], $0x7D0  }
0xa9: {  	[sflag:s22] =	ssyncset.done $0x0  }
0xaa: {  	[sflag:s22] =	ssyncadd.s32 $0xFFFFF830  }
0xab: {  	_ =	swait.ge [sflag:s22], $0x7D0  }
0xac: {  	[sflag:s22] =	ssyncset.done $0x0  }
0xad: {  	[sflag:s22] =	ssyncadd.s32 $0xFFFFF830  }
0xae: {  	[hbm4b:s6+s2] =	stream.linear.scatter [tilespmem:s18], [sflag:$0x3], $0x7D0, $0x38;
	[tilespmem:$0x6F40] =	vst v63  }
0xaf: {  	s29 =	sadd.s32 $0x1, s29;
	_ =	swait.ge [sflag:s15], $0x7D0  }
0xb0: {  	p0 =	sne.s32 s29, s8;
	[sflag:s15] =	ssyncset.done $0x0  }
.Ltmp1:
0xb1: {  	[sflag:s15] =	ssyncadd.s32 $0xFFFFF830;
	(pc) =	sbr.rel @p0 .LBB2_1-.Ltmp1, $4  }
0xb2: {  	[hbm4b:s7+s2] =	stream.linear.scatter [tilespmem:s19], [sflag:$0x3], $0x7D0, $0x38;
	[tilespmem:$0x6F40] =	vst v63  }
0xb3: {  	_ =	swait.ge [sflag:s15], $0x7D0  }
0xb4: {  	[sflag:s15] =	ssyncset.done $0x0  }
0xb5: {  	[sflag:s15] =	ssyncadd.s32 $0xFFFFF830  }
0xb6: {  	_ =	sfence.sel $0x180000  }
0xb7: {  	[bflag:$0x0] =	sbarrier.arrive $0xFFFF  }
0xb8: {  	_ =	strace $0x90000047  }
0xb9: {  	s0 =	stileid.u32;
	[bflag:$0x2] =	sbarrier.arrive $0xFFFF  }
0xba: {  	p0 =	sne.s32 s0, $0x0;
	s0 =	rddreg [dreg:$0x1]  }
0xbb: {  	s0 =	sadd.s32 @!p0 $0x100000, s0  }
0xbc: {  	[sflag:s0] =	ssyncadd.tile.s32 @!p0 $0x1;
	_ =	shalt  }
.Lfunc_end2:
_tile_overlayer_lowered:
.L_overlay_start_2:
0xbd: {  	(tag) =	ssettag $0x2  }
0xbe: {  	s0 =	rddreg [dreg:$0x0];
	s2 =	stileid.u32  }
0xbf: {  	s1 =	rddreg [dreg:$0x1];
	p0 =	sne.s32 s2, $0x0  }
0xc0: {  	s3 =	rddreg [dreg:$0x2];
	[bflag:$0x3] =	sbarrier.arrive $0xFFFF;
	s2 =	simm.s32 @!p0 $0x1C03  }
0xc1: {  	[timem:s3], [sflag:s2] =	dma.local @!p0 [hbm:s0], s1  }
0xc2: {  	s0 =	simm.s32 @!p0 $0x3  }
0xc3: {  	_ =	swait.ge @!p0 [sflag:s0], s1  }
0xc4: {  	s1 =	ssub.s32 @!p0 $0x0, s1;
	[sflag:s0] =	ssyncset.done @!p0 $0x0  }
0xc5: {  	[sflag:s0] =	ssyncadd.s32 @!p0 s1  }
0xc6: {  	[bflag:$0x3] =	sbarrier.arrive $0xFFFF  }
0xc7: {  	_ =	shalt  }

// kernel: kernel.9.cloned.1.call-start
scs
__scs_entry_jumppad:
0x0: {  	(pc) =	sbr.rel $0x88, $3  }
0x1: {  	(tag) =	ssettag $0x0;
	lr =	simm.s32 $0x1  }
0x2: {  	[smem:$0x3F8D] =	sst lr;
	_ =	strace $0xD0000000  }
0x3: {  	_ = 	snop  }
0x4: {  	_ = 	snop  }
0x5: {  	_ = 	snop  }
0x6: {  	_ = 	snop  }
0x7: {  	_ = 	snop  }
__scs_overlays_trampoline_lowered:
0x8: {  	[smem:$0x3F9C] =	sst s0  }
0x9: {  	[smem:$0x3F9D] =	sst s1  }
0xa: {  	[smem:$0x3F9E] =	sst s2  }
0xb: {  	[smem:$0x3F9F] =	sst s3  }
0xc: {  	[smem:$0x3FA0] =	sst s4  }
0xd: {  	[smem:$0x3FA1] =	sst s5  }
0xe: {  	[smem:$0x3FA2] =	sst s6  }
0xf: {  	[smem:$0x3FA3] =	sst s7  }
0x10: {  	[smem:$0x3FA4] =	sst s8  }
0x11: {  	[smem:$0x3FA5] =	sst s9;
	s0 =	simm.s32 @!p0 $0x0  }
0x12: {  	s1 =	sld [smem:$0x3F8B];
	s0 =	simm.s32 @p0 $0x1  }
0x13: {  	[smem:$0x3FA6] =	sst s0;
	s0 =	simm.s32 @!p1 $0x0  }
0x14: {  	s2 =	sld [smem:$0x3F8A];
	s0 =	simm.s32 @p1 $0x1  }
0x15: {  	[smem:$0x3FA7] =	sst s0;
	s0 =	simm.s32 @!p2 $0x0  }
0x16: {  	s3 =	sld [smem:$0x3FDB];
	s0 =	simm.s32 @p2 $0x1  }
0x17: {  	s4 =	simm.s32 $0x1BF5;
	[smem:$0x3FA9] =	sst s0  }
0x18: {  	s0 =	sld [smem:$0x3F8C];
	_ =	swait.ge [sflag:s4], $0x0  }
0x19: {  	s7 =	sld [smem:$0x3F8D]  }
0x1a: {  	s8 =	sadd.s32 $0xFFFFE003, lr  }
0x1b: {  	s9 =	sadd.s32 $0xFFFFFEF7, lr;
	s5 =	simm.s32 $0xFFFFFFFF;
	p2 =	slt.u32 s8, $0xFFFFF086  }
0x1c: {  	p1 =	slt.u32 s9, $0xF7A;
	s5 =	simm.s32 @!p2 $0x0  }
0x1d: {  	s5 =	simm.s32 @p1 $0x1;
	p0 =	seq.s32 s7, s2  }
0x1e: {  	s7 =	smul.u32 @!p0 $0xF7A, s2;
	p2 =	seq.s32 @!p0 s5, $0x0  }
0x1f: {  	s9 =	smul.u32 $0xF7A, s1;
	s8 =	simm.s32 @!p0 $0x1BF5;
	p2 =	por !p2, p0  }
0x20: {  	[sflag:s8] =	ssyncset.s32 @!p0 $0xFFFFF086;
	s6 =	sadd.s32 @!p0 s3, s7;
	s7 =	simm.s32 @!p0 $0x108  }
0x21: {  	s3 =	sadd.s32 s3, s9;
	s6 =	sadd.s32 @!p0 $0x88, s6;
	s7 =	simm.s32 @p2 $0x1082  }
0x22: {  	[simem:s7], [sflag:s8] =	dma.local @!p0 [hbm:s6], $0xF7A  }
0x23: {  	s9 =	sor.u32 $0xD0000000, s2;
	s6 =	simm.s32 $0x108;
	_ =	swait.ge @!p0 [sflag:s8], $0x0  }
0x24: {  	s3 =	sadd.s32 $0x88, s3;
	s6 =	simm.s32 @!p1 $0x1082;
	[sflag:s4] =	ssyncset.s32 $0xFFFFF086  }
0x25: {  	[simem:s6], [sflag:s4] =	dma.local [hbm:s3], $0xF7A  }
0x26: {  	[smem:$0x3F8D] =	sst s1;
	(tag) =	ssettag s2;
	_ =	strace s9  }
0x27: {  	s1 =	sld [smem:$0x3F9D]  }
0x28: {  	s2 =	sld [smem:$0x3F9E]  }
0x29: {  	s4 =	sld [smem:$0x3FA0]  }
0x2a: {  	p0 =	seq.s32 s5, $0x0;
	s5 =	sld [smem:$0x3FA1]  }
0x2b: {  	s6 =	sld [smem:$0x3FA2]  }
0x2c: {  	s7 =	sld [smem:$0x3FA3]  }
0x2d: {  	s3 =	simm.s32 $0x108;
	s8 =	sld [smem:$0x3FA4]  }
0x2e: {  	s3 =	simm.s32 @!p0 $0x1082;
	s9 =	sld [smem:$0x3FA5]  }
0x2f: {  	lr =	sadd.s32 s0, s3;
	s0 =	sld [smem:$0x3F9C]  }
0x30: {  	s3 =	sld [smem:$0x3F9F]  }
0x31: {  	[smem:$0x3FA8] =	sst s10  }
0x32: {  	s10 =	sld [smem:$0x3FA6];
	_ =	sdelay $0x3  }
0x33: {  	p0 =	seq.s32 s10, $0x1;
	s10 =	sld [smem:$0x3FA8];
	_ =	sdelay $0x3  }
0x34: {  	[smem:$0x3FA8] =	sst s10  }
0x35: {  	s10 =	sld [smem:$0x3FA7];
	_ =	sdelay $0x3  }
0x36: {  	p1 =	seq.s32 s10, $0x1;
	s10 =	sld [smem:$0x3FA8];
	_ =	sdelay $0x3  }
0x37: {  	[smem:$0x3FA8] =	sst s10  }
0x38: {  	s10 =	sld [smem:$0x3FA9]  }
0x39: {  	_ = 	snop;
	(pc) =	sbr.ind lr, $3  }
0x3a: {  	_ = 	snop  }
0x3b: {  	_ = 	snop  }
0x3c: {  	p2 =	seq.s32 s10, $0x1;
	s10 =	sld [smem:$0x3FA8]  }
0x3d: {  	_ =	shalt  }
0x3e: {  	_ =	shalt  }
0x3f: {  	_ =	shalt  }
0x40: {  	_ =	shalt  }
0x41: {  	_ =	shalt  }
0x42: {  	_ =	shalt  }
0x43: {  	_ =	shalt  }
0x44: {  	_ =	shalt  }
0x45: {  	_ =	shalt  }
0x46: {  	_ =	shalt  }
0x47: {  	_ =	shalt  }
0x48: {  	_ =	shalt  }
0x49: {  	_ =	shalt  }
0x4a: {  	_ =	shalt  }
0x4b: {  	_ =	shalt  }
0x4c: {  	_ =	shalt  }
0x4d: {  	_ =	shalt  }
0x4e: {  	_ =	shalt  }
0x4f: {  	_ =	shalt  }
0x50: {  	_ =	shalt  }
0x51: {  	_ =	shalt  }
0x52: {  	_ =	shalt  }
0x53: {  	_ =	shalt  }
0x54: {  	_ =	shalt  }
0x55: {  	_ =	shalt  }
0x56: {  	_ =	shalt  }
0x57: {  	_ =	shalt  }
0x58: {  	_ =	shalt  }
0x59: {  	_ =	shalt  }
0x5a: {  	_ =	shalt  }
0x5b: {  	_ =	shalt  }
0x5c: {  	_ =	shalt  }
0x5d: {  	_ =	shalt  }
0x5e: {  	_ =	shalt  }
0x5f: {  	_ =	shalt  }
0x60: {  	_ =	shalt  }
0x61: {  	_ =	shalt  }
0x62: {  	_ =	shalt  }
0x63: {  	_ =	shalt  }
0x64: {  	_ =	shalt  }
0x65: {  	_ =	shalt  }
0x66: {  	_ =	shalt  }
0x67: {  	_ =	shalt  }
0x68: {  	_ =	shalt  }
0x69: {  	_ =	shalt  }
0x6a: {  	_ =	shalt  }
0x6b: {  	_ =	shalt  }
0x6c: {  	_ =	shalt  }
0x6d: {  	_ =	shalt  }
0x6e: {  	_ =	shalt  }
0x6f: {  	_ =	shalt  }
0x70: {  	_ =	shalt  }
0x71: {  	_ =	shalt  }
0x72: {  	_ =	shalt  }
0x73: {  	_ =	shalt  }
0x74: {  	_ =	shalt  }
0x75: {  	_ =	shalt  }
0x76: {  	_ =	shalt  }
0x77: {  	_ =	shalt  }
0x78: {  	_ =	shalt  }
0x79: {  	_ =	shalt  }
0x7a: {  	_ =	shalt  }
0x7b: {  	_ =	shalt  }
0x7c: {  	_ =	shalt  }
0x7d: {  	_ =	shalt  }
0x7e: {  	_ =	shalt  }
0x7f: {  	_ =	shalt  }
0x80: {  	_ =	shalt  }
0x81: {  	_ =	shalt  }
0x82: {  	_ =	shalt  }
0x83: {  	_ =	shalt  }
0x84: {  	_ =	shalt  }
0x85: {  	_ =	shalt  }
0x86: {  	_ =	shalt  }
0x87: {  	_ =	shalt  }
.Lfunc_end0:
.L_simem_size_0:
called_computation.2_lowered:
.L_overlay_start_0:
0x88: {  	s2 =	sld [smem:$0x3FD9]  }
0x89: {  	s3 =	sld [smem:$0x3FFE];
	_ =	sdelay $0x1  }
0x8a: {  	s1 =	srdreg.scid  }
0x8b: {  	s0 =	sand.u32 $0x1, s1  }
0x8c: {  	s17 =	sshll.u32 s0, $0xA;
	s2 =	sadd.s32 s3, s2  }
0x8d: {  	s2 =	sadd.s32 s2, s17  }
0x8e: {  	[smem:$0x3FB4] =	sst s2  }
0x8f: {  	_ = 	snop  }
0x90: {  	s2 =	sld [smem:$0x3FD0];
	(tm) =	ssettm $0x1  }
0x91: {  	s18 =	sld [smem:$0x3FFB];
	_ =	sdelay $0x3  }
0x92: {  	_ =	strace s18  }
0x93: {  	s3 =	sld [smem:$0x3FFC];
	_ =	sdelay $0x3  }
0x94: {  	_ =	strace s3  }
0x95: {  	s3 =	sld [smem:$0x3FFD];
	_ =	sdelay $0x3  }
0x96: {  	_ =	strace s3  }
0x97: {  	_ =	strace $0x8FFFFFFF  }
0x98: {  	s19 =	sld [smem:$0x3FDB];
	_ =	sdelay $0x1  }
0x99: {  	s4 =	simm.s32 $_scs_section_size  }
0x9a: {  	s5 =	simm.s32 $_size__tile_overlayer_lowered;
	s6 =	simm.s32 $_tile_overlayer_lowered  }
0x9b: {  	s22 =	simm.s32 $0x1BFF;
	s21 =	sshll.u32 s6, $0x1;
	s3 =	sadd.s32 s4, s19  }
0x9c: {  	s7 =	simm.s32 $0x0;
	s20 =	sshll.u32 s5, $0x1;
	s5 =	sadd.s32 s21, s3  }
0x9d: {  	[timem:s7], [sflag:s22] =	dma.local [hbm:s5], s20  }
0x9e: {  	_ =	swait.ge [sflag:s22], s20  }
0x9f: {  	s4 =	ssub.s32 $0x0, s20;
	[sflag:s22] =	ssyncset.done $0x0  }
0xa0: {  	[sflag:s22] =	ssyncadd.s32 s4;
	_ =	sdelay $0x1  }
0xa1: {  	s23 =	simm.s32 $0x1B8B  }
0xa2: {  	_ =	swait.ge [sflag:s23], $0x1  }
0xa3: {  	[sflag:s23] =	ssyncset.done $0x0  }
0xa4: {  	s25 =	simm.s32 $0x1B8E;
	s24 =	sld [smem:$0x3FFE];
	[sflag:s23] =	ssyncadd.s32 $0xFFFFFFFF  }
0xa5: {  	s26 =	simm.s32 $execute0_lowered;
	[smem:$0x3FD2] =	sst s25  }
0xa6: {  	s5 =	sshll.u32 s26, $0x1;
	_ =	strace $0x8000004C;
	[dreg:$0x1] =	wrdreg $0xFFFFFFFF  }
0xa7: {  	s28 =	simm.s32 $_size_execute0_lowered;
	s3 =	sadd.s32 s3, s5;
	[dreg:$0x0] =	wrdreg $0x0  }
0xa8: {  	s5 =	sshll.u32 s28, $0x1;
	[dreg:$0x2] =	wrdreg s3  }
0xa9: {  	[dreg:$0x3] =	wrdreg s5  }
0xaa: {  	[dreg:$0x4] =	wrdreg $0xC0  }
0xab: {  	_ =	task [dreg:s7], $0x5FFFF  }
0xac: {  	[dreg:$0x1] =	wrdreg $0xFFFFFFFF  }
0xad: {  	[dreg:$0x0] =	wrdreg $0x60  }
0xae: {  	[dreg:$0x2] =	wrdreg s24  }
0xaf: {  	[dreg:$0x3] =	wrdreg s2  }
0xb0: {  	[dreg:$0x4] =	wrdreg $0x85C00  }
0xb1: {  	[dreg:$0x5] =	wrdreg $0x9  }
0xb2: {  	_ =	task.clear_ibuf [dreg:s7], $0x6FFFF;
	_ =	strace $0x9000004C  }
0xb3: {  	s29 =	simm.s32 $0x9;
	_ =	strace $0x8000004E  }
0xb4: {  	_ =	swait.ge [sflag:s29], $0x1  }
0xb5: {  	[sflag:s29] =	ssyncadd.s32 $0xFFFFFFFF  }
0xb6: {  	_ =	strace $0x9000004E  }
0xb7: {  	_ =	sfence  }
0xb8: {  	s30 =	sld [smem:$0x0];
	_ =	sdelay $0x2  }
0xb9: {  	s31 =	sshll.u32 s1, $0xD;
	s1 =	sshrl.u32 s1, $0x2  }
0xba: {  	s3 =	sand.u32 $0x4000, s31;
	s1 =	sadd.s32 s1, s30  }
0xbb: {  	s0 =	sor.u32 s3, s0;
	s1 =	sshll.u32 s1, $0x11  }
0xbc: {  	s0 =	sor.u32 s1, s0  }
0xbd: {  	s0 =	sadd.s32 $0x8F2B, s0  }
0xbe: {  	[sflag:s0] =	ssyncadd.remote.s32 $0x1  }
0xbf: {  	_ =	sfence.sel $0xFFFF  }
0xc0: {  	[dreg:$0x0] =	wrdreg $0xFFFFFFFF;
	(pc) =	sbr.abs _section_cstart, $3  }
0xc1: {  	[dreg:$0x1] =	wrdreg $0xFFFFFFFF  }
0xc2: {  	_ =	task.clear_ibuf [dreg:s7], $0x2FFFF;
	_ =	strace $0x9FFFFFFF  }
0xc3: {  	(tm) =	ssettm $0x7FFFFFFF  }
tec
execute0_lowered:
.L_overlay_start_1:
0x0: {  	(tag) =	ssettag $0x1  }
0x1: {  	s18 =	stileid.u32  }
0x2: {  	s1 =	srdreg.scid;
	s17 =	smul.u32 $0x27100, s18  }
0x3: {  	s1 =	sand.u32 $0x1, s1;
	s29 =	smul.u32 $0x3E800, s18  }
0x4: {  	s0 =	rddreg [dreg:$0x0];
	s2 =	sshll.u32 s18, $0x1;
	s5 =	smul.u32 $0xA, s1  }
0x5: {  	s2 =	sor.u32 s1, s2;
	s8 =	ssub.s32 $0x2, s1;
	s1 =	smul.u32 $0x13880, s1  }
0x6: {  	s3 =	rddreg [dreg:$0x2];
	s4 =	simm.s32 $0x0;
	s6 =	smul.u32 $0x500, s2  }
0x7: {  	[smem:$0x7FF] =	sst s4;
	s16 =	sadd.s32 $0x153A00, s0;
	s7 =	smul.u32 $0x13880, s2  }
0x8: {  	p0 =	sgt.u32 s18, $0x9;
	_ =	strace $0x8000004D;
	s2 =	smul.u32 $0x9C400, s2  }
0x9: {  	s26 =	sshrl.u32 s8, $0x1;
	s28 =	sshrl.u32 s17, $0x2;
	s22 =	sadd.s32 s17, s16  }
0xa: {  	s17 =	simm.s32 $0x4740;
	s5 =	sadd.s32 s18, s5;
	s9 =	ssub.s32 s8, s26  }
0xb: {  	s8 =	sadd.s32 s28, s3;
	s1 =	sadd.s32 s1, s22;
	s18 =	simm.s32 $0x1  }
0xc: {  	s22 =	simm.s32 $0x2680;
	s5 =	smul.u32 $0xFA00, s5;
	s6 =	sadd.s32 s6, s0  }
0xd: {  	s2 =	sshrl.u32 s2, $0x3;
	s9 =	smax.u32 s9, $0x1;
	s10 =	sadd.s32 $0x1F40, s8  }
0xe: {  	s11 =	sadd.s32 $0x3E80, s8;
	s12 =	sadd.s32 $0x5DC0, s8;
	s5 =	sshrl.u32 s5, $0x3  }
0xf: {  	s13 =	sadd.s32 $0x7D00, s8;
	s2 =	sadd.s32 s16, s2;
	s0 =	sadd.s32 s5, s0  }
0x10: {  	s5 =	sadd.s32 $0x2200, s6;
	s6 =	sadd.s32 s16, s7;
	s30 =	sadd.s32 $0xC200, s0  }
0x11: {  	s7 =	sadd.s32 $0x13498, s2;
	s19 =	sadd.s32 $0xC5E8, s0;
	[dreg:$0x4] =	wrdreg s30  }
0x12: {  	s2 =	sshrl.u32 s29, $0x2;
	s20 =	sadd.s32 $0xC9D0, s0;
	[dreg:$0x6] =	wrdreg s19  }
0x13: {  	s16 =	simm.s32 $0x2800;
	s21 =	sadd.s32 $0xCDB8, s0;
	[dreg:$0x7] =	wrdreg s20  }
0x14: {  	s14 =	sadd.s32 $0x12CC8, s6;
	s23 =	sadd.s32 $0xD1A0, s0;
	[dreg:$0x8] =	wrdreg s21  }
0x15: {  	s15 =	sadd.s32 s2, s3;
	s24 =	sadd.s32 $0xD588, s0;
	[dreg:$0x9] =	wrdreg s23  }
0x16: {  	s25 =	sadd.s32 $0xD970, s0;
	s0 =	sadd.s32 $0xDD58, s0;
	[dreg:$0xa] =	wrdreg s24  }
0x17: {  	s2 =	simm.s32 $0x3;
	s31 =	sadd.s32 $0x1F40, s15;
	[dreg:$0xb] =	wrdreg s25  }
0x18: {  	[dreg:$0xc] =	wrdreg s0;
	s25 =	sadd.s32 $0x7D0, s1;
	s26 =	sadd.s32 $0x3E80, s15  }
0x19: {  	s28 =	sadd.s32 $0x5DC0, s15;
	s29 =	sadd.s32 $0x7D00, s15;
	[dreg:$0x5] =	wrdreg s31  }
.Ltmp0:
0x1a: {  	s30 =	sadd.s32 $0x9C40, s15;
	[dreg:$0xd] =	wrdreg s26;
	(pc) =	sbr.rel .LBB2_1-.Ltmp0, $4  }
0x1b: {  	s1 =	sadd.s32 $0xDAC0, s15;
	s0 =	simm.s32 $0x6680;
	[dreg:$0xe] =	wrdreg s28  }
0x1c: {  	s19 =	simm.s32 $0x7D;
	s20 =	simm.s32 $0x2;
	[dreg:$0xf] =	wrdreg s29  }
0x1d: {  	s21 =	simm.s32 $0x2600;
	[dreg:$0x10] =	wrdreg s30;
	s31 =	sadd.s32 $0xBB80, s15  }
0x1e: {  	s23 =	simm.s32 $0x2780;
	s24 =	simm.s32 $0x0;
	[dreg:$0x11] =	wrdreg s31  }
.LBB2_5:
0x1f: {  	s24 =	sadd.s32 $0x1, s24  }
0x20: {  	p1 =	sne.s32 s24, s9  }
.Ltmp1:
0x21: {  	_ = 	snop;
	(pc) =	sbr.rel @!p1 .LBB2_6-.Ltmp1, $1  }
0x22: {  	_ =	sdelay $0x3  }
.LBB2_1:
0x23: {  	s26 =	rddreg [dreg:$0x1]  }
0x24: {  	[tilespmem:s0], [sflag:$0x3] =	stream.linear.gather [hbm4b:s26+s4], $0x1F40, $0x38;
	[tilespmem:$0x12200] =	vst v63  }
0x25: {  	_ =	swait.ge [sflag:s2], $0x1F40  }
0x26: {  	[sflag:s2] =	ssyncset.done $0x0  }
0x27: {  	[sflag:s2] =	ssyncadd.s32 $0xFFFFE0C0  }
0x28: {  	[spmem:s8] =	stream.linear.scatter [tilespmem:s0], [sflag:$0x3], $0x1F40, $0x38;
	[tilespmem:$0x12200] =	vst v63  }
0x29: {  	_ =	swait.ge [sflag:s2], $0x1F40  }
0x2a: {  	[sflag:s2] =	ssyncset.done $0x0  }
0x2b: {  	[sflag:s2] =	ssyncadd.s32 $0xFFFFE0C0  }
0x2c: {  	[spmem:s10] =	stream.linear.scatter [tilespmem:s0], [sflag:$0x3], $0x1F40, $0x38;
	[tilespmem:$0x12200] =	vst v63  }
0x2d: {  	_ =	swait.ge [sflag:s2], $0x1F40  }
0x2e: {  	[sflag:s2] =	ssyncset.done $0x0  }
0x2f: {  	[sflag:s2] =	ssyncadd.s32 $0xFFFFE0C0  }
0x30: {  	[spmem:s11] =	stream.linear.scatter [tilespmem:s0], [sflag:$0x3], $0x1F40, $0x38;
	[tilespmem:$0x12200] =	vst v63  }
0x31: {  	_ =	swait.ge [sflag:s2], $0x1F40  }
0x32: {  	[sflag:s2] =	ssyncset.done $0x0  }
0x33: {  	[sflag:s2] =	ssyncadd.s32 $0xFFFFE0C0  }
0x34: {  	[spmem:s12] =	stream.linear.scatter [tilespmem:s0], [sflag:$0x3], $0x1F40, $0x38;
	[tilespmem:$0x12200] =	vst v63  }
0x35: {  	_ =	swait.ge [sflag:s2], $0x1F40  }
0x36: {  	[sflag:s2] =	ssyncset.done $0x0  }
0x37: {  	[sflag:s2] =	ssyncadd.s32 $0xFFFFE0C0  }
0x38: {  	[spmem:s13] =	stream.linear.scatter [tilespmem:s0], [sflag:$0x3], $0x1F40, $0x38;
	[tilespmem:$0x12200] =	vst v63  }
0x39: {  	_ =	swait.ge [sflag:s2], $0x1F40  }
0x3a: {  	[sflag:s2] =	ssyncset.done $0x0  }
0x3b: {  	[sflag:s2] =	ssyncadd.s32 $0xFFFFE0C0  }
0x3c: {  	[tilespmem:s4], [sflag:$0x3] =	stream.linear.gather [hbm4b:s5+s4], $0x2800, $0x38;
	[tilespmem:$0x12200] =	vst v63  }
0x3d: {  	_ =	swait.ge [sflag:s2], $0x2800  }
0x3e: {  	[sflag:s2] =	ssyncset.done $0x0  }
0x3f: {  	[sflag:s2] =	ssyncadd.s32 $0xFFFFD800  }
0x40: {  	[bflag:$0x0] =	sbarrier.arrive $0xFFFF  }
0x41: {  	[tilespmem:s16], [sflag:$0x1] =	stream.linear.gather [hbm4b:s6+s4], $0x1F40, $0x38;
	[tilespmem:$0x12200] =	vst v63  }
0x42: {  	s31 =	sadd.s32 $0xFFFFFC18, s25  }
0x43: {  	[tilespmem:s17], [sflag:$0x2] =	stream.linear.gather [hbm4b:s31+s4], $0x1F40, $0x38;
	[tilespmem:$0x12200] =	vst v63  }
0x44: {  	_ =	swait.ge [sflag:s18], $0x1F40  }
0x45: {  	[sflag:s18] =	ssyncset.done $0x0  }
0x46: {  	s30 =	simm.s32 $0x0;
	[sflag:s18] =	ssyncadd.s32 $0xFFFFE0C0  }
0x47: {  	[spmem:s3] =	stream.indirect.scatter.add.f32 [tilespmem:s16], [sflag:$0x3], $0x40, s30, s19, $0xb8;
	[tilespmem:$0x12200] =	vst v63  }
0x48: {  	_ =	swait.ge [sflag:s2], $0x1F40  }
0x49: {  	[sflag:s2] =	ssyncset.done $0x0  }
0x4a: {  	[sflag:s2] =	ssyncadd.s32 $0xFFFFE0C0  }
0x4b: {  	[tilespmem:s16], [sflag:$0x1] =	stream.linear.gather [hbm4b:s25+s4], $0x1F40, $0x38;
	[tilespmem:$0x12200] =	vst v63  }
0x4c: {  	_ =	swait.ge [sflag:s20], $0x1F40  }
0x4d: {  	[sflag:s20] =	ssyncset.done $0x0  }
0x4e: {  	s31 =	simm.s32 $0x80;
	[sflag:s20] =	ssyncadd.s32 $0xFFFFE0C0  }
0x4f: {  	[spmem:s3] =	stream.indirect.scatter.add.f32 [tilespmem:s17], [sflag:$0x3], $0x40, s31, s19, $0xb8;
	[tilespmem:$0x12200] =	vst v63  }
0x50: {  	s28 =	simm.s32 $0x400;
	_ =	swait.ge [sflag:s2], $0x1F40  }
0x51: {  	s29 =	simm.s32 $0x800;
	s26 =	sadd.s32 $0x7D0, s25;
	[sflag:s2] =	ssyncset.done $0x0  }
.LBB2_2:
0x52: {  	p1 =	sne.s32 s29, $0x9400;
	s30 =	sadd.s32 $0xFFFFFC18, s26;
	[sflag:s2] =	ssyncadd.s32 $0xFFFFE0C0  }
0x53: {  	[tilespmem:s17], [sflag:$0x2] =	stream.linear.gather [hbm4b:s30+s4], $0x1F40, $0x38;
	[tilespmem:$0x12200] =	vst v63  }
0x54: {  	s30 =	smov.u32 s29;
	s29 =	sadd.s32 $0x400, s29;
	_ =	swait.ge [sflag:s18], $0x1F40  }
0x55: {  	[sflag:s18] =	ssyncset.done $0x0  }
0x56: {  	s31 =	sshra.s32 s28, $0x2;
	s28 =	smov.u32 s30;
	[sflag:s18] =	ssyncadd.s32 $0xFFFFE0C0  }
0x57: {  	[spmem:s3] =	stream.indirect.scatter.add.f32 [tilespmem:s16], [sflag:$0x3], $0x40, s31, s19, $0xb8;
	[tilespmem:$0x12200] =	vst v63  }
0x58: {  	_ =	swait.ge [sflag:s2], $0x1F40  }
0x59: {  	[sflag:s2] =	ssyncset.done $0x0  }
0x5a: {  	[sflag:s2] =	ssyncadd.s32 $0xFFFFE0C0  }
0x5b: {  	[tilespmem:s16], [sflag:$0x1] =	stream.linear.gather [hbm4b:s26+s4], $0x1F40, $0x38;
	[tilespmem:$0x12200] =	vst v63  }
0x5c: {  	_ =	swait.ge [sflag:s20], $0x1F40  }
.Ltmp2:
0x5d: {  	[sflag:s20] =	ssyncset.done $0x0;
	(pc) =	sbr.rel @p1 .LBB2_2-.Ltmp2, $4  }
0x5e: {  	s30 =	sadd.s32 $0x80, s31;
	[sflag:s20] =	ssyncadd.s32 $0xFFFFE0C0  }
0x5f: {  	[spmem:s3] =	stream.indirect.scatter.add.f32 [tilespmem:s17], [sflag:$0x3], $0x40, s30, s19, $0xb8;
	[tilespmem:$0x12200] =	vst v63  }
0x60: {  	_ =	swait.ge [sflag:s2], $0x1F40  }
0x61: {  	s26 =	sadd.s32 $0x7D0, s26;
	[sflag:s2] =	ssyncset.done $0x0  }
0x62: {  	s29 =	sadd.s32 $0xFFFFFC18, s26;
	[sflag:s2] =	ssyncadd.s32 $0xFFFFE0C0  }
0x63: {  	[tilespmem:s17], [sflag:$0x2] =	stream.linear.gather [hbm4b:s29+s4], $0x1F40, $0x38;
	[tilespmem:$0x12200] =	vst v63  }
0x64: {  	_ =	swait.ge [sflag:s18], $0x1F40  }
0x65: {  	[sflag:s18] =	ssyncset.done $0x0  }
0x66: {  	s28 =	sshra.s32 s28, $0x2;
	[sflag:s18] =	ssyncadd.s32 $0xFFFFE0C0  }
0x67: {  	[spmem:s3] =	stream.indirect.scatter.add.f32 [tilespmem:s16], [sflag:$0x3], $0x40, s28, s19, $0xb8;
	[tilespmem:$0x12200] =	vst v63  }
0x68: {  	_ =	swait.ge [sflag:s2], $0x1F40  }
0x69: {  	[sflag:s2] =	ssyncset.done $0x0  }
0x6a: {  	[sflag:s2] =	ssyncadd.s32 $0xFFFFE0C0  }
0x6b: {  	[tilespmem:s16], [sflag:$0x1] =	stream.linear.gather [hbm4b:s26+s4], $0x1F40, $0x38;
	[tilespmem:$0x12200] =	vst v63  }
0x6c: {  	_ =	swait.ge [sflag:s20], $0x1F40  }
0x6d: {  	[sflag:s20] =	ssyncset.done $0x0  }
0x6e: {  	s31 =	sadd.s32 $0x80, s28;
	[sflag:s20] =	ssyncadd.s32 $0xFFFFE0C0  }
0x6f: {  	[spmem:s3] =	stream.indirect.scatter.add.f32 [tilespmem:s17], [sflag:$0x3], $0x40, s31, s19, $0xb8;
	[tilespmem:$0x12200] =	vst v63  }
0x70: {  	_ =	swait.ge [sflag:s2], $0x1F40  }
0x71: {  	[sflag:s2] =	ssyncset.done $0x0  }
0x72: {  	[sflag:s2] =	ssyncadd.s32 $0xFFFFE0C0  }
0x73: {  	[tilespmem:s17], [sflag:$0x2] =	stream.linear.gather [hbm4b:s14+s4], $0x1F40, $0x38;
	[tilespmem:$0x12200] =	vst v63  }
0x74: {  	_ =	swait.ge [sflag:s18], $0x1F40  }
0x75: {  	[sflag:s18] =	ssyncset.done $0x0  }
0x76: {  	[sflag:s18] =	ssyncadd.s32 $0xFFFFE0C0  }
0x77: {  	[spmem:s3] =	stream.indirect.scatter.add.f32 [tilespmem:s16], [sflag:$0x3], $0x40, s21, s19, $0xb8;
	[tilespmem:$0x12200] =	vst v63  }
0x78: {  	_ =	swait.ge [sflag:s2], $0x1F40  }
0x79: {  	[sflag:s2] =	ssyncset.done $0x0  }
0x7a: {  	[sflag:s2] =	ssyncadd.s32 $0xFFFFE0C0  }
0x7b: {  	_ =	swait.ge [sflag:s20], $0x1F40  }
0x7c: {  	[sflag:s20] =	ssyncset.done $0x0  }
0x7d: {  	[sflag:s20] =	ssyncadd.s32 $0xFFFFE0C0  }
0x7e: {  	[spmem:s3] =	stream.indirect.scatter.add.f32 [tilespmem:s17], [sflag:$0x3], $0x40, s22, s19, $0xb8;
	[tilespmem:$0x12200] =	vst v63  }
0x7f: {  	_ =	swait.ge [sflag:s2], $0x1F40  }
0x80: {  	[sflag:s2] =	ssyncset.done $0x0  }
0x81: {  	[sflag:s2] =	ssyncadd.s32 $0xFFFFE0C0  }
0x82: {  	[tilespmem:s16], [sflag:$0x1] =	stream.linear.gather [hbm4b:s7+s4], $0x1F40, $0x38;
	[tilespmem:$0x12200] =	vst v63  }
0x83: {  	_ =	swait.ge [sflag:s18], $0x1F40  }
0x84: {  	[sflag:s18] =	ssyncset.done $0x0  }
0x85: {  	[sflag:s18] =	ssyncadd.s32 $0xFFFFE0C0  }
0x86: {  	[spmem:s3] =	stream.indirect.scatter.add.f32 [tilespmem:s16], [sflag:$0x3], $0x40, s23, s19, $0xb8;
	[tilespmem:$0x12200] =	vst v63  }
.Ltmp3:
0x87: {  	_ =	swait.ge [sflag:s2], $0x1F40;
	(pc) =	sbr.rel @p0 .LBB2_5-.Ltmp3, $3  }
0x88: {  	[sflag:s2] =	ssyncset.done $0x0  }
0x89: {  	[sflag:s2] =	ssyncadd.s32 $0xFFFFE0C0  }
0x8a: {  	[bflag:$0x0] =	sbarrier.arrive $0xFFFF;
	_ =	sdelay $0x1  }
0x8b: {  	[tilespmem:s0], [sflag:$0x3] =	stream.linear.gather [spmem:s15], $0x1F40, $0x38;
	[tilespmem:$0x12200] =	vst v63  }
0x8c: {  	_ =	swait.ge [sflag:s2], $0x1F40  }
0x8d: {  	[sflag:s2] =	ssyncset.done $0x0  }
0x8e: {  	s26 =	rddreg [dreg:$0x4];
	[sflag:s2] =	ssyncadd.s32 $0xFFFFE0C0  }
0x8f: {  	[hbm4b:s26+s4] =	stream.linear.scatter [tilespmem:s0], [sflag:$0x3], $0x1F40, $0x38;
	[tilespmem:$0x12200] =	vst v63  }
0x90: {  	_ =	swait.ge [sflag:s2], $0x1F40  }
0x91: {  	[sflag:s2] =	ssyncset.done $0x0  }
0x92: {  	s31 =	rddreg [dreg:$0x5];
	[sflag:s2] =	ssyncadd.s32 $0xFFFFE0C0  }
0x93: {  	[tilespmem:s0], [sflag:$0x3] =	stream.linear.gather [spmem:s31], $0x1F40, $0x38;
	[tilespmem:$0x12200] =	vst v63  }
0x94: {  	_ =	swait.ge [sflag:s2], $0x1F40  }
0x95: {  	[sflag:s2] =	ssyncset.done $0x0  }
0x96: {  	s28 =	rddreg [dreg:$0x6];
	[sflag:s2] =	ssyncadd.s32 $0xFFFFE0C0  }
0x97: {  	[hbm4b:s28+s4] =	stream.linear.scatter [tilespmem:s0], [sflag:$0x3], $0x1F40, $0x38;
	[tilespmem:$0x12200] =	vst v63  }
0x98: {  	_ =	swait.ge [sflag:s2], $0x1F40  }
0x99: {  	[sflag:s2] =	ssyncset.done $0x0  }
0x9a: {  	s29 =	rddreg [dreg:$0xd];
	[sflag:s2] =	ssyncadd.s32 $0xFFFFE0C0  }
0x9b: {  	[tilespmem:s0], [sflag:$0x3] =	stream.linear.gather [spmem:s29], $0x1F40, $0x38;
	[tilespmem:$0x12200] =	vst v63  }
0x9c: {  	_ =	swait.ge [sflag:s2], $0x1F40  }
0x9d: {  	[sflag:s2] =	ssyncset.done $0x0  }
0x9e: {  	s30 =	rddreg [dreg:$0x7];
	[sflag:s2] =	ssyncadd.s32 $0xFFFFE0C0  }
0x9f: {  	[hbm4b:s30+s4] =	stream.linear.scatter [tilespmem:s0], [sflag:$0x3], $0x1F40, $0x38;
	[tilespmem:$0x12200] =	vst v63  }
0xa0: {  	_ =	swait.ge [sflag:s2], $0x1F40  }
0xa1: {  	[sflag:s2] =	ssyncset.done $0x0  }
0xa2: {  	s31 =	rddreg [dreg:$0xe];
	[sflag:s2] =	ssyncadd.s32 $0xFFFFE0C0  }
0xa3: {  	[tilespmem:s0], [sflag:$0x3] =	stream.linear.gather [spmem:s31], $0x1F40, $0x38;
	[tilespmem:$0x12200] =	vst v63  }
0xa4: {  	_ =	swait.ge [sflag:s2], $0x1F40  }
0xa5: {  	[sflag:s2] =	ssyncset.done $0x0  }
0xa6: {  	s28 =	rddreg [dreg:$0x8];
	[sflag:s2] =	ssyncadd.s32 $0xFFFFE0C0  }
0xa7: {  	[hbm4b:s28+s4] =	stream.linear.scatter [tilespmem:s0], [sflag:$0x3], $0x1F40, $0x38;
	[tilespmem:$0x12200] =	vst v63  }
0xa8: {  	_ =	swait.ge [sflag:s2], $0x1F40  }
0xa9: {  	[sflag:s2] =	ssyncset.done $0x0  }
0xaa: {  	s29 =	rddreg [dreg:$0xf];
	[sflag:s2] =	ssyncadd.s32 $0xFFFFE0C0  }
0xab: {  	[tilespmem:s0], [sflag:$0x3] =	stream.linear.gather [spmem:s29], $0x1F40, $0x38;
	[tilespmem:$0x12200] =	vst v63  }
0xac: {  	_ =	swait.ge [sflag:s2], $0x1F40  }
0xad: {  	[sflag:s2] =	ssyncset.done $0x0  }
0xae: {  	s30 =	rddreg [dreg:$0x9];
	[sflag:s2] =	ssyncadd.s32 $0xFFFFE0C0  }
0xaf: {  	[hbm4b:s30+s4] =	stream.linear.scatter [tilespmem:s0], [sflag:$0x3], $0x1F40, $0x38;
	[tilespmem:$0x12200] =	vst v63  }
0xb0: {  	_ =	swait.ge [sflag:s2], $0x1F40  }
0xb1: {  	[sflag:s2] =	ssyncset.done $0x0  }
0xb2: {  	s31 =	rddreg [dreg:$0x10];
	[sflag:s2] =	ssyncadd.s32 $0xFFFFE0C0  }
0xb3: {  	[tilespmem:s0], [sflag:$0x3] =	stream.linear.gather [spmem:s31], $0x1F40, $0x38;
	[tilespmem:$0x12200] =	vst v63  }
0xb4: {  	_ =	swait.ge [sflag:s2], $0x1F40  }
0xb5: {  	[sflag:s2] =	ssyncset.done $0x0  }
0xb6: {  	s28 =	rddreg [dreg:$0xa];
	[sflag:s2] =	ssyncadd.s32 $0xFFFFE0C0  }
0xb7: {  	[hbm4b:s28+s4] =	stream.linear.scatter [tilespmem:s0], [sflag:$0x3], $0x1F40, $0x38;
	[tilespmem:$0x12200] =	vst v63  }
0xb8: {  	_ =	swait.ge [sflag:s2], $0x1F40  }
0xb9: {  	[sflag:s2] =	ssyncset.done $0x0  }
0xba: {  	s29 =	rddreg [dreg:$0x11];
	[sflag:s2] =	ssyncadd.s32 $0xFFFFE0C0  }
0xbb: {  	[tilespmem:s0], [sflag:$0x3] =	stream.linear.gather [spmem:s29], $0x1F40, $0x38;
	[tilespmem:$0x12200] =	vst v63  }
0xbc: {  	_ =	swait.ge [sflag:s2], $0x1F40  }
0xbd: {  	[sflag:s2] =	ssyncset.done $0x0  }
0xbe: {  	s30 =	rddreg [dreg:$0xb];
	[sflag:s2] =	ssyncadd.s32 $0xFFFFE0C0  }
0xbf: {  	[hbm4b:s30+s4] =	stream.linear.scatter [tilespmem:s0], [sflag:$0x3], $0x1F40, $0x38;
	[tilespmem:$0x12200] =	vst v63  }
0xc0: {  	_ =	swait.ge [sflag:s2], $0x1F40  }
0xc1: {  	[sflag:s2] =	ssyncset.done $0x0  }
0xc2: {  	[sflag:s2] =	ssyncadd.s32 $0xFFFFE0C0  }
0xc3: {  	[tilespmem:s0], [sflag:$0x3] =	stream.linear.gather [spmem:s1], $0x1F40, $0x38;
	[tilespmem:$0x12200] =	vst v63  }
0xc4: {  	_ =	swait.ge [sflag:s2], $0x1F40  }
0xc5: {  	[sflag:s2] =	ssyncset.done $0x0  }
.Ltmp4:
0xc6: {  	s31 =	rddreg [dreg:$0xc];
	[sflag:s2] =	ssyncadd.s32 $0xFFFFE0C0;
	(pc) =	sbr.rel .LBB2_5-.Ltmp4, $4  }
0xc7: {  	[hbm4b:s31+s4] =	stream.linear.scatter [tilespmem:s0], [sflag:$0x3], $0x1F40, $0x38;
	[tilespmem:$0x12200] =	vst v63  }
0xc8: {  	_ =	swait.ge [sflag:s2], $0x1F40  }
0xc9: {  	[sflag:s2] =	ssyncset.done $0x0  }
0xca: {  	[sflag:s2] =	ssyncadd.s32 $0xFFFFE0C0  }
.LBB2_6:
0xcb: {  	_ =	sfence.sel $0x180000  }
0xcc: {  	[bflag:$0x0] =	sbarrier.arrive $0xFFFF  }
0xcd: {  	_ =	strace $0x9000004D  }
0xce: {  	s0 =	stileid.u32;
	[bflag:$0x2] =	sbarrier.arrive $0xFFFF  }
0xcf: {  	p0 =	sne.s32 s0, $0x0;
	s0 =	rddreg [dreg:$0x3]  }
0xd0: {  	s0 =	sadd.s32 @!p0 $0x100000, s0  }
0xd1: {  	[sflag:s0] =	ssyncadd.tile.s32 @!p0 $0x1;
	_ =	shalt  }
.Lfunc_end2:
_tile_overlayer_lowered:
.L_overlay_start_2:
0xd2: {  	(tag) =	ssettag $0x2  }
0xd3: {  	s0 =	rddreg [dreg:$0x0];
	s2 =	stileid.u32  }
0xd4: {  	s1 =	rddreg [dreg:$0x1];
	p0 =	sne.s32 s2, $0x0  }
0xd5: {  	s3 =	rddreg [dreg:$0x2];
	[bflag:$0x3] =	sbarrier.arrive $0xFFFF;
	s2 =	simm.s32 @!p0 $0x1C03  }
0xd6: {  	[timem:s3], [sflag:s2] =	dma.local @!p0 [hbm:s0], s1  }
0xd7: {  	s0 =	simm.s32 @!p0 $0x3  }
0xd8: {  	_ =	swait.ge @!p0 [sflag:s0], s1  }
0xd9: {  	s1 =	ssub.s32 @!p0 $0x0, s1;
	[sflag:s0] =	ssyncset.done @!p0 $0x0  }
0xda: {  	[sflag:s0] =	ssyncadd.s32 @!p0 s1  }
0xdb: {  	[bflag:$0x3] =	sbarrier.arrive $0xFFFF  }
0xdc: {  	_ =	shalt  }

</sc_bundles>
